<compile_context>
chip_gen: v7x
topology: tpu7x:2x2x1
jax: 0.10.2.dev20260603
libtpu: 0.0.44.dev20260713+nightly
codegen_flags: <defaults>
</compile_context>

<pallas_src>
import jax
import jax.numpy as jnp
from jax import lax
from jax.experimental import pallas as pl
from jax.experimental.pallas import tpu as pltpu
from jax.experimental.pallas import tpu_sc as plsc

N = 10000
D = 128
E = 320000

NC = 2
NS = 16
NW = NC * NS
CH = 128
NCHUNK = 80
EPT = NCHUNK * CH
EP = EPT * NW
PAD = EP - E
HALF = NCHUNK // 2
N2 = 10240
RPT = N2 // NS


def _deg_body(col_hbm, ones_hbm, z128_hbm, acc_hbm,
              ones_v, cb0, cb1, cb2, cb3, is0, is1, is2, is3, acc_sh):
    c = lax.axis_index("c")
    s = lax.axis_index("s")
    wid = s * NC + c
    r0 = s * RPT
    cbs = (cb0, cb1, cb2, cb3)
    isems = (is0, is1, is2, is3)
    base = wid * NCHUNK

    pltpu.sync_copy(z128_hbm.at[pl.ds(r0, RPT)], acc_sh.at[pl.ds(r0, RPT)])
    pltpu.sync_copy(ones_hbm, ones_v)
    plsc.subcore_barrier()

    for q in range(4):
        pltpu.async_copy(col_hbm.at[base + q], cbs[q], isems[q])

    def grp(g, carry):
        for q in range(4):
            i = 4 * g + q
            pltpu.make_async_copy(col_hbm.at[base + i], cbs[q],
                                  isems[q]).wait()
            pltpu.sync_copy(ones_v, acc_sh.at[cbs[q]], add=True)

            @pl.when(i + 4 < NCHUNK)
            def _(i=i, q=q):
                pltpu.async_copy(col_hbm.at[base + i + 4], cbs[q], isems[q])
        return carry

    lax.fori_loop(0, NCHUNK // 4, grp, 0)
    plsc.subcore_barrier()
    pltpu.sync_copy(acc_sh.at[pl.ds(r0, RPT)], acc_hbm.at[c, pl.ds(r0, RPT)])


def _spmm_body(row_hbm, col_hbm, hp_hbm, z128_hbm, acc_hbm,
               ridx_all, buf0, buf1, cb0, cb1, cb2, cb3,
               gsem0, gsem1, is0, is1, is2, is3, acc_sh):
    c = lax.axis_index("c")
    s = lax.axis_index("s")
    wid = s * NC + c
    r0 = s * RPT
    bufs = (buf0, buf1)
    cbs = (cb0, cb1, cb2, cb3)
    gsems = (gsem0, gsem1)
    isems = (is0, is1, is2, is3)

    @pl.when(c == 0)
    def _():
        pltpu.sync_copy(hp_hbm.at[pl.ds(r0, RPT)], acc_sh.at[pl.ds(r0, RPT)])

    @pl.when(c != 0)
    def _():
        pltpu.sync_copy(z128_hbm.at[pl.ds(r0, RPT)], acc_sh.at[pl.ds(r0, RPT)])

    plsc.subcore_barrier()

    def gather(i, b):
        pltpu.async_copy(hp_hbm.at[ridx_all.at[i]], bufs[b], gsems[b])

    def gather_wait(i, b):
        pltpu.make_async_copy(hp_hbm.at[ridx_all.at[i]], bufs[b],
                              gsems[b]).wait()

    for h in range(2):
        base = wid * NCHUNK + h * HALF
        pltpu.sync_copy(row_hbm.at[pl.ds(base, HALF)], ridx_all)
        for q in range(4):
            pltpu.async_copy(col_hbm.at[base + q], cbs[q], isems[q])
        gather(0, 0)
        gather(1, 1)

        def grp(g, carry):
            for q in range(4):
                i = 4 * g + q
                b = q % 2
                gather_wait(i, b)
                pltpu.make_async_copy(col_hbm.at[base + i], cbs[q],
                                      isems[q]).wait()
                pltpu.sync_copy(bufs[b], acc_sh.at[cbs[q]], add=True)

                @pl.when(i + 2 < HALF)
                def _(i=i, b=b):
                    gather(i + 2, b)

                @pl.when(i + 4 < HALF)
                def _(i=i, q=q):
                    pltpu.async_copy(col_hbm.at[base + i + 4], cbs[q],
                                     isems[q])
            return carry

        lax.fori_loop(0, HALF // 4, grp, 0)
    plsc.subcore_barrier()
    pltpu.sync_copy(acc_sh.at[pl.ds(r0, RPT)], acc_hbm.at[c, pl.ds(r0, RPT)])


def _mm_body(x_ref, w_ref, d_ref, o_ref):
    h = jnp.dot(x_ref[...], w_ref[...], preferred_element_type=jnp.float32)
    deg = d_ref[0, :, 0:1] + d_ref[1, :, 0:1] + 1.0
    o_ref[...] = h * lax.rsqrt(deg)


def _comb_body(a0_ref, a1_ref, d_ref, b_ref, o_ref):
    deg = d_ref[0, :, 0:1] + d_ref[1, :, 0:1] + 1.0
    o_ref[...] = lax.rsqrt(deg) * (a0_ref[0] + a1_ref[0]) + b_ref[0]


@jax.jit
def kernel(x, edge_index, W, bias):
    row = edge_index[0]
    col = edge_index[1]
    row_p = jnp.concatenate(
        [row, jnp.zeros((PAD,), jnp.int32)]).reshape(NW * NCHUNK, CH)
    col_p = jnp.concatenate(
        [col, jnp.full((PAD,), N, jnp.int32)]).reshape(NW * NCHUNK, CH)
    x_p = jnp.concatenate([x, jnp.zeros((N2 - N, D), jnp.float32)])
    z128 = jnp.zeros((N2, D), jnp.float32)
    ones128 = jnp.ones((CH, D), jnp.float32)

    mesh = plsc.VectorSubcoreMesh(
        core_axis_name="c", subcore_axis_name="s",
        num_cores=NC, num_subcores=NS)

    degk = pl.kernel(
        _deg_body,
        out_type=jax.ShapeDtypeStruct((NC, N2, D), jnp.float32),
        mesh=mesh,
        scratch_types=[
            pltpu.VMEM((CH, D), jnp.float32),
            pltpu.VMEM((CH,), jnp.int32),
            pltpu.VMEM((CH,), jnp.int32),
            pltpu.VMEM((CH,), jnp.int32),
            pltpu.VMEM((CH,), jnp.int32),
            pltpu.SemaphoreType.DMA,
            pltpu.SemaphoreType.DMA,
            pltpu.SemaphoreType.DMA,
            pltpu.SemaphoreType.DMA,
            pltpu.VMEM_SHARED((N2, D), jnp.float32),
        ],
    )
    deg = degk(col_p, ones128, z128)

    mm_grid = 16
    bm = N2 // mm_grid
    hp = pl.pallas_call(
        _mm_body,
        grid=(mm_grid,),
        in_specs=[
            pl.BlockSpec((bm, D), lambda i: (i, 0)),
            pl.BlockSpec((D, D), lambda i: (0, 0)),
            pl.BlockSpec((2, bm, D), lambda i: (0, i, 0)),
        ],
        out_specs=pl.BlockSpec((bm, D), lambda i: (i, 0)),
        out_shape=jax.ShapeDtypeStruct((N2, D), jnp.float32),
    )(x_p, W, deg)

    spmm = pl.kernel(
        _spmm_body,
        out_type=jax.ShapeDtypeStruct((NC, N2, D), jnp.float32),
        mesh=mesh,
        scratch_types=[
            pltpu.VMEM((HALF, CH), jnp.int32),
            pltpu.VMEM((CH, D), jnp.float32),
            pltpu.VMEM((CH, D), jnp.float32),
            pltpu.VMEM((CH,), jnp.int32),
            pltpu.VMEM((CH,), jnp.int32),
            pltpu.VMEM((CH,), jnp.int32),
            pltpu.VMEM((CH,), jnp.int32),
            pltpu.SemaphoreType.DMA,
            pltpu.SemaphoreType.DMA,
            pltpu.SemaphoreType.DMA,
            pltpu.SemaphoreType.DMA,
            pltpu.SemaphoreType.DMA,
            pltpu.SemaphoreType.DMA,
            pltpu.VMEM_SHARED((N2, D), jnp.float32),
        ],
    )
    acc = spmm(row_p, col_p, hp, z128)

    out = pl.pallas_call(
        _comb_body,
        grid=(mm_grid,),
        in_specs=[
            pl.BlockSpec((1, bm, D), lambda i: (0, i, 0)),
            pl.BlockSpec((1, bm, D), lambda i: (1, i, 0)),
            pl.BlockSpec((2, bm, D), lambda i: (0, i, 0)),
            pl.BlockSpec((1, D), lambda i: (0, 0)),
        ],
        out_specs=pl.BlockSpec((bm, D), lambda i: (i, 0)),
        out_shape=jax.ShapeDtypeStruct((N, D), jnp.float32),
    )(acc, acc, deg, bias.reshape(1, D))
    return out

# --- scband reference (transcript-rebuilt; emitter-appended) ---
"""Pipeline reference for scband-gcnconv-52527450030811 (READ-ONLY COPY).

The authoritative reference and input builder live on the scoring server;
editing this copy changes nothing except your own understanding.
"""

import jax, jax.numpy as jnp
import numpy as np

N = 10000
E = 320000
D_IN = 128
D_OUT = 128


def setup_inputs(seed: int = 0) -> dict:
    key = jax.random.key(seed)
    k1, k2, k3 = jax.random.split(key, 3)
    x = jax.random.normal(k1, (N, D_IN), dtype=jnp.float32)
    edge_index = jax.random.randint(k2, (2, E), 0, N, dtype=jnp.int32)
    # glorot-initialized linear weight (no bias in lin), plus zero-initialized module bias
    limit = float(np.sqrt(6.0 / (D_IN + D_OUT)))
    W = jax.random.uniform(k3, (D_IN, D_OUT), dtype=jnp.float32, minval=-limit, maxval=limit)
    bias = jnp.zeros((D_OUT,), dtype=jnp.float32)
    return {"x": x, "edge_index": edge_index, "W": W, "bias": bias}


def reference(x, edge_index, W, bias):
    # x = self.lin(x)
    h = x @ W
    n = h.shape[0]
    row = edge_index[0]
    col = edge_index[1]
    # add_self_loops(edge_index, num_nodes=N)
    loop = jnp.arange(n, dtype=row.dtype)
    row = jnp.concatenate([row, loop])
    col = jnp.concatenate([col, loop])
    ew = jnp.ones(row.shape[0], dtype=h.dtype)
    # gcn_norm (improved=False, add_self_loops already applied)
    deg = jax.ops.segment_sum(ew, col, num_segments=n)
    deg_inv_sqrt = jnp.where(deg > 0, deg ** -0.5, 0.0)
    norm = deg_inv_sqrt[row] * ew * deg_inv_sqrt[col]
    # spmm: out[col] += norm * h[row]
    out = jax.ops.segment_sum(h[row] * norm[:, None], col, num_segments=n)
    out = out + bias
    return out

if __name__ == "__main__":
    import jax
    _d = setup_inputs()
    print(jax.jit(kernel)(*tuple(_d.values())))

</pallas_src>

<mosaic_0001>
#map = affine_map<(d0, d1) -> (0, 0)>
#map1 = affine_map<(d0, d1) -> (0, 0, 0)>
module attributes {stable_mosaic.version = 14 : i64} {
  func.func @_spmm_body(%arg0: i32, %arg1: i32, %arg2: memref<2560x128xi32, #tpu.memory_space<hbm>>, %arg3: memref<2560x128xi32, #tpu.memory_space<hbm>>, %arg4: memref<10240x128xf32, #tpu.memory_space<hbm>>, %arg5: memref<10240x128xf32, #tpu.memory_space<hbm>>, %arg6: memref<2x10240x128xf32, #tpu.memory_space<hbm>>, %arg7: memref<40x128xi32, #tpu.memory_space<vmem>>, %arg8: memref<128x128xf32, #tpu.memory_space<vmem>>, %arg9: memref<128x128xf32, #tpu.memory_space<vmem>>, %arg10: memref<128xi32, #tpu.memory_space<vmem>>, %arg11: memref<128xi32, #tpu.memory_space<vmem>>, %arg12: memref<128xi32, #tpu.memory_space<vmem>>, %arg13: memref<128xi32, #tpu.memory_space<vmem>>, %arg14: memref<!tpu.dma_semaphore, #tpu.memory_space<semaphore_mem>>, %arg15: memref<!tpu.dma_semaphore, #tpu.memory_space<semaphore_mem>>, %arg16: memref<!tpu.dma_semaphore, #tpu.memory_space<semaphore_mem>>, %arg17: memref<!tpu.dma_semaphore, #tpu.memory_space<semaphore_mem>>, %arg18: memref<!tpu.dma_semaphore, #tpu.memory_space<semaphore_mem>>, %arg19: memref<!tpu.dma_semaphore, #tpu.memory_space<semaphore_mem>>, %arg20: memref<10240x128xf32, #tpu.memory_space<vmem_shared>>) attributes {dimension_semantics = [#tpu.dimension_semantics<core_parallel>, #tpu.dimension_semantics<subcore_parallel>], iteration_bounds = array<i64: 2, 16>, scalar_prefetch = 0 : i64, scratch_operands = 14 : i64, tpu.core_type = #tpu.core_type<sc_vector_subcore>, window_params = [{transform_indices = #map}, {transform_indices = #map}, {transform_indices = #map}, {transform_indices = #map}, {transform_indices = #map1}]} {
    %mul3A = arith.constant 2 : i32
    %mul3A_0 = arith.muli %arg1, %mul3A : i32
    %add3A = arith.addi %mul3A_0, %arg0 : i32
    %mul3A_1 = arith.constant 640 : i32
    %mul3A_2 = arith.muli %arg1, %mul3A_1 : i32
    %eq3A = arith.constant 0 : i32
    %eq3A_3 = arith.cmpi eq, %arg0, %eq3A : i32
    %convert_element_type3A = arith.extui %eq3A_3 : i1 to i32
    %cond3A = arith.constant 0 : i32
    %cond3A_4 = arith.cmpi ne, %convert_element_type3A, %cond3A : i32
    scf.if %cond3A_4 {
      "tpu.region"() ({
        %run_scoped3A = tpu.sem_alloc : memref<!tpu.dma_semaphore, #tpu.memory_space<semaphore_mem>>
        %dma_start3A_120 = arith.constant 0 : i32
        %dma_start3A_121 = tpu.memref_slice %arg20[%mul3A_2, %dma_start3A_120] : memref<10240x128xf32, #tpu.memory_space<vmem_shared>> -> memref<640x128xf32, #tpu.memory_space<vmem_shared>>
        %dma_start3A_122 = arith.constant 0 : i32
        %dma_start3A_123 = tpu.memref_slice %arg4[%mul3A_2, %dma_start3A_122] : memref<10240x128xf32, #tpu.memory_space<hbm>> -> memref<640x128xf32, #tpu.memory_space<hbm>>
        tpu.enqueue_dma source(%dma_start3A_123 : memref<640x128xf32, #tpu.memory_space<hbm>>) target(%dma_start3A_121 : memref<640x128xf32, #tpu.memory_space<vmem_shared>>) target_semaphore(%run_scoped3A : memref<!tpu.dma_semaphore, #tpu.memory_space<semaphore_mem>>)
        %dma_wait3A = arith.constant 0 : i32
        %dma_wait3A_124 = tpu.memref_slice %arg20[%mul3A_2, %dma_wait3A] : memref<10240x128xf32, #tpu.memory_space<vmem_shared>> -> memref<640x128xf32, #tpu.memory_space<vmem_shared>>
        %dma_wait3A_125 = arith.constant 0 : i32
        %dma_wait3A_126 = tpu.memref_slice %arg4[%mul3A_2, %dma_wait3A_125] : memref<10240x128xf32, #tpu.memory_space<hbm>> -> memref<640x128xf32, #tpu.memory_space<hbm>>
        tpu.wait_dma2 semaphore(%run_scoped3A : memref<!tpu.dma_semaphore, #tpu.memory_space<semaphore_mem>>) src(%dma_wait3A_126 : memref<640x128xf32, #tpu.memory_space<hbm>>) dst(%dma_wait3A_124 : memref<640x128xf32, #tpu.memory_space<vmem_shared>>)
        tpu.yield
      }) : () -> ()
    } else {
    }
    %ne3A = arith.constant 0 : i32
    %ne3A_5 = arith.cmpi ne, %arg0, %ne3A : i32
    %convert_element_type3A_6 = arith.extui %ne3A_5 : i1 to i32
    %cond3A_7 = arith.constant 0 : i32
    %cond3A_8 = arith.cmpi ne, %convert_element_type3A_6, %cond3A_7 : i32
    scf.if %cond3A_8 {
      "tpu.region"() ({
        %run_scoped3A = tpu.sem_alloc : memref<!tpu.dma_semaphore, #tpu.memory_space<semaphore_mem>>
        %dma_start3A_120 = arith.constant 0 : i32
        %dma_start3A_121 = tpu.memref_slice %arg20[%mul3A_2, %dma_start3A_120] : memref<10240x128xf32, #tpu.memory_space<vmem_shared>> -> memref<640x128xf32, #tpu.memory_space<vmem_shared>>
        %dma_start3A_122 = arith.constant 0 : i32
        %dma_start3A_123 = tpu.memref_slice %arg5[%mul3A_2, %dma_start3A_122] : memref<10240x128xf32, #tpu.memory_space<hbm>> -> memref<640x128xf32, #tpu.memory_space<hbm>>
        tpu.enqueue_dma source(%dma_start3A_123 : memref<640x128xf32, #tpu.memory_space<hbm>>) target(%dma_start3A_121 : memref<640x128xf32, #tpu.memory_space<vmem_shared>>) target_semaphore(%run_scoped3A : memref<!tpu.dma_semaphore, #tpu.memory_space<semaphore_mem>>)
        %dma_wait3A = arith.constant 0 : i32
        %dma_wait3A_124 = tpu.memref_slice %arg20[%mul3A_2, %dma_wait3A] : memref<10240x128xf32, #tpu.memory_space<vmem_shared>> -> memref<640x128xf32, #tpu.memory_space<vmem_shared>>
        %dma_wait3A_125 = arith.constant 0 : i32
        %dma_wait3A_126 = tpu.memref_slice %arg5[%mul3A_2, %dma_wait3A_125] : memref<10240x128xf32, #tpu.memory_space<hbm>> -> memref<640x128xf32, #tpu.memory_space<hbm>>
        tpu.wait_dma2 semaphore(%run_scoped3A : memref<!tpu.dma_semaphore, #tpu.memory_space<semaphore_mem>>) src(%dma_wait3A_126 : memref<640x128xf32, #tpu.memory_space<hbm>>) dst(%dma_wait3A_124 : memref<640x128xf32, #tpu.memory_space<vmem_shared>>)
        tpu.yield
      }) : () -> ()
    } else {
    }
    %barrier3A = arith.constant 0 : index
    tpu.barrier barrier_id(%barrier3A)
    %mul3A_9 = arith.constant 80 : i32
    %mul3A_10 = arith.muli %add3A, %mul3A_9 : i32
    %add3A_11 = arith.constant 0 : i32
    %add3A_12 = arith.addi %mul3A_10, %add3A_11 : i32
    "tpu.region"() ({
      %run_scoped3A = tpu.sem_alloc : memref<!tpu.dma_semaphore, #tpu.memory_space<semaphore_mem>>
      %dma_start3A_120 = arith.constant 0 : i32
      %dma_start3A_121 = tpu.memref_slice %arg2[%add3A_12, %dma_start3A_120] : memref<2560x128xi32, #tpu.memory_space<hbm>> -> memref<40x128xi32, #tpu.memory_space<hbm>>
      %dma_start3A_122 = arith.constant 0 : i32
      %dma_start3A_123 = tpu.memref_slice %arg2[%add3A_12, %dma_start3A_122] : memref<2560x128xi32, #tpu.memory_space<hbm>> -> memref<40x128xi32, #tpu.memory_space<hbm>>
      tpu.enqueue_dma source(%dma_start3A_123 : memref<40x128xi32, #tpu.memory_space<hbm>>) target(%arg7 : memref<40x128xi32, #tpu.memory_space<vmem>>) target_semaphore(%run_scoped3A : memref<!tpu.dma_semaphore, #tpu.memory_space<semaphore_mem>>)
      %dma_wait3A = arith.constant 0 : i32
      %dma_wait3A_124 = tpu.memref_slice %arg2[%add3A_12, %dma_wait3A] : memref<2560x128xi32, #tpu.memory_space<hbm>> -> memref<40x128xi32, #tpu.memory_space<hbm>>
      %dma_wait3A_125 = arith.constant 0 : i32
      %dma_wait3A_126 = tpu.memref_slice %arg2[%add3A_12, %dma_wait3A_125] : memref<2560x128xi32, #tpu.memory_space<hbm>> -> memref<40x128xi32, #tpu.memory_space<hbm>>
      tpu.wait_dma2 semaphore(%run_scoped3A : memref<!tpu.dma_semaphore, #tpu.memory_space<semaphore_mem>>) src(%dma_wait3A_126 : memref<40x128xi32, #tpu.memory_space<hbm>>) dst(%arg7 : memref<40x128xi32, #tpu.memory_space<vmem>>)
      tpu.yield
    }) : () -> ()
    %add3A_13 = arith.constant 0 : i32
    %add3A_14 = arith.addi %add3A_12, %add3A_13 : i32
    %dma_start3A = arith.constant 0 : i32
    %dma_start3A_15 = tpu.memref_slice %arg3[%add3A_14, %dma_start3A] : memref<2560x128xi32, #tpu.memory_space<hbm>> -> memref<1x128xi32, #tpu.memory_space<hbm>>
    %dma_start3A_16 = tpu.memref_squeeze %dma_start3A_15 : memref<1x128xi32, #tpu.memory_space<hbm>> -> memref<128xi32, #tpu.memory_space<hbm>>
    %dma_start3A_17 = arith.constant 0 : i32
    %dma_start3A_18 = tpu.memref_slice %arg3[%add3A_14, %dma_start3A_17] : memref<2560x128xi32, #tpu.memory_space<hbm>> -> memref<1x128xi32, #tpu.memory_space<hbm>>
    %dma_start3A_19 = tpu.memref_squeeze %dma_start3A_18 : memref<1x128xi32, #tpu.memory_space<hbm>> -> memref<128xi32, #tpu.memory_space<hbm>>
    tpu.enqueue_dma source(%dma_start3A_19 : memref<128xi32, #tpu.memory_space<hbm>>) target(%arg10 : memref<128xi32, #tpu.memory_space<vmem>>) target_semaphore(%arg16 : memref<!tpu.dma_semaphore, #tpu.memory_space<semaphore_mem>>)
    %add3A_20 = arith.constant 1 : i32
    %add3A_21 = arith.addi %add3A_12, %add3A_20 : i32
    %dma_start3A_22 = arith.constant 0 : i32
    %dma_start3A_23 = tpu.memref_slice %arg3[%add3A_21, %dma_start3A_22] : memref<2560x128xi32, #tpu.memory_space<hbm>> -> memref<1x128xi32, #tpu.memory_space<hbm>>
    %dma_start3A_24 = tpu.memref_squeeze %dma_start3A_23 : memref<1x128xi32, #tpu.memory_space<hbm>> -> memref<128xi32, #tpu.memory_space<hbm>>
    %dma_start3A_25 = arith.constant 0 : i32
    %dma_start3A_26 = tpu.memref_slice %arg3[%add3A_21, %dma_start3A_25] : memref<2560x128xi32, #tpu.memory_space<hbm>> -> memref<1x128xi32, #tpu.memory_space<hbm>>
    %dma_start3A_27 = tpu.memref_squeeze %dma_start3A_26 : memref<1x128xi32, #tpu.memory_space<hbm>> -> memref<128xi32, #tpu.memory_space<hbm>>
    tpu.enqueue_dma source(%dma_start3A_27 : memref<128xi32, #tpu.memory_space<hbm>>) target(%arg11 : memref<128xi32, #tpu.memory_space<vmem>>) target_semaphore(%arg17 : memref<!tpu.dma_semaphore, #tpu.memory_space<semaphore_mem>>)
    %add3A_28 = arith.constant 2 : i32
    %add3A_29 = arith.addi %add3A_12, %add3A_28 : i32
    %dma_start3A_30 = arith.constant 0 : i32
    %dma_start3A_31 = tpu.memref_slice %arg3[%add3A_29, %dma_start3A_30] : memref<2560x128xi32, #tpu.memory_space<hbm>> -> memref<1x128xi32, #tpu.memory_space<hbm>>
    %dma_start3A_32 = tpu.memref_squeeze %dma_start3A_31 : memref<1x128xi32, #tpu.memory_space<hbm>> -> memref<128xi32, #tpu.memory_space<hbm>>
    %dma_start3A_33 = arith.constant 0 : i32
    %dma_start3A_34 = tpu.memref_slice %arg3[%add3A_29, %dma_start3A_33] : memref<2560x128xi32, #tpu.memory_space<hbm>> -> memref<1x128xi32, #tpu.memory_space<hbm>>
    %dma_start3A_35 = tpu.memref_squeeze %dma_start3A_34 : memref<1x128xi32, #tpu.memory_space<hbm>> -> memref<128xi32, #tpu.memory_space<hbm>>
    tpu.enqueue_dma source(%dma_start3A_35 : memref<128xi32, #tpu.memory_space<hbm>>) target(%arg12 : memref<128xi32, #tpu.memory_space<vmem>>) target_semaphore(%arg18 : memref<!tpu.dma_semaphore, #tpu.memory_space<semaphore_mem>>)
    %add3A_36 = arith.constant 3 : i32
    %add3A_37 = arith.addi %add3A_12, %add3A_36 : i32
    %dma_start3A_38 = arith.constant 0 : i32
    %dma_start3A_39 = tpu.memref_slice %arg3[%add3A_37, %dma_start3A_38] : memref<2560x128xi32, #tpu.memory_space<hbm>> -> memref<1x128xi32, #tpu.memory_space<hbm>>
    %dma_start3A_40 = tpu.memref_squeeze %dma_start3A_39 : memref<1x128xi32, #tpu.memory_space<hbm>> -> memref<128xi32, #tpu.memory_space<hbm>>
    %dma_start3A_41 = arith.constant 0 : i32
    %dma_start3A_42 = tpu.memref_slice %arg3[%add3A_37, %dma_start3A_41] : memref<2560x128xi32, #tpu.memory_space<hbm>> -> memref<1x128xi32, #tpu.memory_space<hbm>>
    %dma_start3A_43 = tpu.memref_squeeze %dma_start3A_42 : memref<1x128xi32, #tpu.memory_space<hbm>> -> memref<128xi32, #tpu.memory_space<hbm>>
    tpu.enqueue_dma source(%dma_start3A_43 : memref<128xi32, #tpu.memory_space<hbm>>) target(%arg13 : memref<128xi32, #tpu.memory_space<vmem>>) target_semaphore(%arg19 : memref<!tpu.dma_semaphore, #tpu.memory_space<semaphore_mem>>)
    %dma_start3A_44 = arith.constant 0 : i32
    %dma_start3A_45 = arith.constant 0 : i32
    %dma_start3A_46 = tpu.memref_slice %arg7[%dma_start3A_44, %dma_start3A_45] : memref<40x128xi32, #tpu.memory_space<vmem>> -> memref<1x128xi32, #tpu.memory_space<vmem>>
    %dma_start3A_47 = tpu.memref_squeeze %dma_start3A_46 : memref<1x128xi32, #tpu.memory_space<vmem>> -> memref<128xi32, #tpu.memory_space<vmem>>
    %dma_start3A_48 = arith.constant 0 : i32
    %dma_start3A_49 = arith.constant 0 : i32
    %dma_start3A_50 = tpu.memref_slice %arg4[%dma_start3A_48, %dma_start3A_49] : memref<10240x128xf32, #tpu.memory_space<hbm>> -> memref<10240x128xf32, #tpu.memory_space<hbm>>
    tpu.enqueue_indirect_dma source(%dma_start3A_50 : memref<10240x128xf32, #tpu.memory_space<hbm>>) target(%arg8 : memref<128x128xf32, #tpu.memory_space<vmem>>) offsets(%dma_start3A_47 : memref<128xi32, #tpu.memory_space<vmem>>) semaphore(%arg14 : memref<!tpu.dma_semaphore, #tpu.memory_space<semaphore_mem>>)
    %dma_start3A_51 = arith.constant 1 : i32
    %dma_start3A_52 = arith.constant 0 : i32
    %dma_start3A_53 = tpu.memref_slice %arg7[%dma_start3A_51, %dma_start3A_52] : memref<40x128xi32, #tpu.memory_space<vmem>> -> memref<1x128xi32, #tpu.memory_space<vmem>>
    %dma_start3A_54 = tpu.memref_squeeze %dma_start3A_53 : memref<1x128xi32, #tpu.memory_space<vmem>> -> memref<128xi32, #tpu.memory_space<vmem>>
    %dma_start3A_55 = arith.constant 0 : i32
    %dma_start3A_56 = arith.constant 0 : i32
    %dma_start3A_57 = tpu.memref_slice %arg4[%dma_start3A_55, %dma_start3A_56] : memref<10240x128xf32, #tpu.memory_space<hbm>> -> memref<10240x128xf32, #tpu.memory_space<hbm>>
    tpu.enqueue_indirect_dma source(%dma_start3A_57 : memref<10240x128xf32, #tpu.memory_space<hbm>>) target(%arg9 : memref<128x128xf32, #tpu.memory_space<vmem>>) offsets(%dma_start3A_54 : memref<128xi32, #tpu.memory_space<vmem>>) semaphore(%arg15 : memref<!tpu.dma_semaphore, #tpu.memory_space<semaphore_mem>>)
    %scan3A = arith.constant 0 : i32
    %scan3A_58 = arith.constant 0 : i32
    %scan3A_59 = arith.constant 10 : i32
    %scan3A_60 = arith.addi %scan3A_58, %scan3A_59 : i32
    %scan3A_61 = arith.constant 1 : i32
    scf.for %scan3A_120 = %scan3A_58 to %scan3A_60 step %scan3A_61  : i32 {
      %mul3A_121 = arith.constant 4 : i32
      %mul3A_122 = arith.muli %mul3A_121, %scan3A_120 : i32
      %add3A_123 = arith.constant 0 : i32
      %add3A_124 = arith.addi %mul3A_122, %add3A_123 : i32
      %dma_wait3A = arith.constant 0 : i32
      %dma_wait3A_125 = tpu.memref_slice %arg7[%add3A_124, %dma_wait3A] : memref<40x128xi32, #tpu.memory_space<vmem>> -> memref<1x128xi32, #tpu.memory_space<vmem>>
      %dma_wait3A_126 = tpu.memref_squeeze %dma_wait3A_125 : memref<1x128xi32, #tpu.memory_space<vmem>> -> memref<128xi32, #tpu.memory_space<vmem>>
      %dma_wait3A_127 = arith.constant 0 : i32
      %dma_wait3A_128 = arith.constant 0 : i32
      %dma_wait3A_129 = tpu.memref_slice %arg4[%dma_wait3A_127, %dma_wait3A_128] : memref<10240x128xf32, #tpu.memory_space<hbm>> -> memref<10240x128xf32, #tpu.memory_space<hbm>>
      tpu.wait_indirect_dma semaphore(%arg14 : memref<!tpu.dma_semaphore, #tpu.memory_space<semaphore_mem>>) src(%dma_wait3A_129 : memref<10240x128xf32, #tpu.memory_space<hbm>>) dst(%arg8 : memref<128x128xf32, #tpu.memory_space<vmem>>)
      %add3A_130 = arith.addi %add3A_12, %add3A_124 : i32
      %dma_wait3A_131 = arith.constant 0 : i32
      %dma_wait3A_132 = tpu.memref_slice %arg3[%add3A_130, %dma_wait3A_131] : memref<2560x128xi32, #tpu.memory_space<hbm>> -> memref<1x128xi32, #tpu.memory_space<hbm>>
      %dma_wait3A_133 = tpu.memref_squeeze %dma_wait3A_132 : memref<1x128xi32, #tpu.memory_space<hbm>> -> memref<128xi32, #tpu.memory_space<hbm>>
      %dma_wait3A_134 = arith.constant 0 : i32
      %dma_wait3A_135 = tpu.memref_slice %arg3[%add3A_130, %dma_wait3A_134] : memref<2560x128xi32, #tpu.memory_space<hbm>> -> memref<1x128xi32, #tpu.memory_space<hbm>>
      %dma_wait3A_136 = tpu.memref_squeeze %dma_wait3A_135 : memref<1x128xi32, #tpu.memory_space<hbm>> -> memref<128xi32, #tpu.memory_space<hbm>>
      tpu.wait_dma2 semaphore(%arg16 : memref<!tpu.dma_semaphore, #tpu.memory_space<semaphore_mem>>) src(%dma_wait3A_136 : memref<128xi32, #tpu.memory_space<hbm>>) dst(%arg10 : memref<128xi32, #tpu.memory_space<vmem>>)
      "tpu.region"() ({
        %run_scoped3A = tpu.sem_alloc : memref<!tpu.dma_semaphore, #tpu.memory_space<semaphore_mem>>
        %dma_start3A_243 = arith.constant 0 : i32
        %dma_start3A_244 = arith.constant 0 : i32
        %dma_start3A_245 = tpu.memref_slice %arg20[%dma_start3A_243, %dma_start3A_244] : memref<10240x128xf32, #tpu.memory_space<vmem_shared>> -> memref<10240x128xf32, #tpu.memory_space<vmem_shared>>
        tpu.enqueue_indirect_dma source(%arg8 : memref<128x128xf32, #tpu.memory_space<vmem>>) target(%dma_start3A_245 : memref<10240x128xf32, #tpu.memory_space<vmem_shared>>) offsets(%arg10 : memref<128xi32, #tpu.memory_space<vmem>>) semaphore(%run_scoped3A : memref<!tpu.dma_semaphore, #tpu.memory_space<semaphore_mem>>) {add = true}
        %dma_wait3A_246 = arith.constant 0 : i32
        %dma_wait3A_247 = arith.constant 0 : i32
        %dma_wait3A_248 = tpu.memref_slice %arg20[%dma_wait3A_246, %dma_wait3A_247] : memref<10240x128xf32, #tpu.memory_space<vmem_shared>> -> memref<10240x128xf32, #tpu.memory_space<vmem_shared>>
        tpu.wait_indirect_dma semaphore(%run_scoped3A : memref<!tpu.dma_semaphore, #tpu.memory_space<semaphore_mem>>) src(%arg8 : memref<128x128xf32, #tpu.memory_space<vmem>>) dst(%dma_wait3A_248 : memref<10240x128xf32, #tpu.memory_space<vmem_shared>>)
        tpu.yield
      }) : () -> ()
      %add3A_137 = arith.constant 2 : i32
      %add3A_138 = arith.addi %add3A_124, %add3A_137 : i32
      %lt3A = arith.constant 40 : i32
      %lt3A_139 = arith.cmpi slt, %add3A_138, %lt3A : i32
      %convert_element_type3A_140 = arith.extui %lt3A_139 : i1 to i32
      %cond3A_141 = arith.constant 0 : i32
      %cond3A_142 = arith.cmpi ne, %convert_element_type3A_140, %cond3A_141 : i32
      scf.if %cond3A_142 {
        %add3A_243 = arith.constant 2 : i32
        %add3A_244 = arith.addi %add3A_124, %add3A_243 : i32
        %dma_start3A_245 = arith.constant 0 : i32
        %dma_start3A_246 = tpu.memref_slice %arg7[%add3A_244, %dma_start3A_245] : memref<40x128xi32, #tpu.memory_space<vmem>> -> memref<1x128xi32, #tpu.memory_space<vmem>>
        %dma_start3A_247 = tpu.memref_squeeze %dma_start3A_246 : memref<1x128xi32, #tpu.memory_space<vmem>> -> memref<128xi32, #tpu.memory_space<vmem>>
        %dma_start3A_248 = arith.constant 0 : i32
        %dma_start3A_249 = arith.constant 0 : i32
        %dma_start3A_250 = tpu.memref_slice %arg4[%dma_start3A_248, %dma_start3A_249] : memref<10240x128xf32, #tpu.memory_space<hbm>> -> memref<10240x128xf32, #tpu.memory_space<hbm>>
        tpu.enqueue_indirect_dma source(%dma_start3A_250 : memref<10240x128xf32, #tpu.memory_space<hbm>>) target(%arg8 : memref<128x128xf32, #tpu.memory_space<vmem>>) offsets(%dma_start3A_247 : memref<128xi32, #tpu.memory_space<vmem>>) semaphore(%arg14 : memref<!tpu.dma_semaphore, #tpu.memory_space<semaphore_mem>>)
      } else {
      }
      %add3A_143 = arith.constant 4 : i32
      %add3A_144 = arith.addi %add3A_124, %add3A_143 : i32
      %lt3A_145 = arith.constant 40 : i32
      %lt3A_146 = arith.cmpi slt, %add3A_144, %lt3A_145 : i32
      %convert_element_type3A_147 = arith.extui %lt3A_146 : i1 to i32
      %cond3A_148 = arith.constant 0 : i32
      %cond3A_149 = arith.cmpi ne, %convert_element_type3A_147, %cond3A_148 : i32
      scf.if %cond3A_149 {
        %add3A_243 = arith.addi %add3A_12, %add3A_124 : i32
        %add3A_244 = arith.constant 4 : i32
        %add3A_245 = arith.addi %add3A_243, %add3A_244 : i32
        %dma_start3A_246 = arith.constant 0 : i32
        %dma_start3A_247 = tpu.memref_slice %arg3[%add3A_245, %dma_start3A_246] : memref<2560x128xi32, #tpu.memory_space<hbm>> -> memref<1x128xi32, #tpu.memory_space<hbm>>
        %dma_start3A_248 = tpu.memref_squeeze %dma_start3A_247 : memref<1x128xi32, #tpu.memory_space<hbm>> -> memref<128xi32, #tpu.memory_space<hbm>>
        %dma_start3A_249 = arith.constant 0 : i32
        %dma_start3A_250 = tpu.memref_slice %arg3[%add3A_245, %dma_start3A_249] : memref<2560x128xi32, #tpu.memory_space<hbm>> -> memref<1x128xi32, #tpu.memory_space<hbm>>
        %dma_start3A_251 = tpu.memref_squeeze %dma_start3A_250 : memref<1x128xi32, #tpu.memory_space<hbm>> -> memref<128xi32, #tpu.memory_space<hbm>>
        tpu.enqueue_dma source(%dma_start3A_251 : memref<128xi32, #tpu.memory_space<hbm>>) target(%arg10 : memref<128xi32, #tpu.memory_space<vmem>>) target_semaphore(%arg16 : memref<!tpu.dma_semaphore, #tpu.memory_space<semaphore_mem>>)
      } else {
      }
      %mul3A_150 = arith.constant 4 : i32
      %mul3A_151 = arith.muli %mul3A_150, %scan3A_120 : i32
      %add3A_152 = arith.constant 1 : i32
      %add3A_153 = arith.addi %mul3A_151, %add3A_152 : i32
      %dma_wait3A_154 = arith.constant 0 : i32
      %dma_wait3A_155 = tpu.memref_slice %arg7[%add3A_153, %dma_wait3A_154] : memref<40x128xi32, #tpu.memory_space<vmem>> -> memref<1x128xi32, #tpu.memory_space<vmem>>
      %dma_wait3A_156 = tpu.memref_squeeze %dma_wait3A_155 : memref<1x128xi32, #tpu.memory_space<vmem>> -> memref<128xi32, #tpu.memory_space<vmem>>
      %dma_wait3A_157 = arith.constant 0 : i32
      %dma_wait3A_158 = arith.constant 0 : i32
      %dma_wait3A_159 = tpu.memref_slice %arg4[%dma_wait3A_157, %dma_wait3A_158] : memref<10240x128xf32, #tpu.memory_space<hbm>> -> memref<10240x128xf32, #tpu.memory_space<hbm>>
      tpu.wait_indirect_dma semaphore(%arg15 : memref<!tpu.dma_semaphore, #tpu.memory_space<semaphore_mem>>) src(%dma_wait3A_159 : memref<10240x128xf32, #tpu.memory_space<hbm>>) dst(%arg9 : memref<128x128xf32, #tpu.memory_space<vmem>>)
      %add3A_160 = arith.addi %add3A_12, %add3A_153 : i32
      %dma_wait3A_161 = arith.constant 0 : i32
      %dma_wait3A_162 = tpu.memref_slice %arg3[%add3A_160, %dma_wait3A_161] : memref<2560x128xi32, #tpu.memory_space<hbm>> -> memref<1x128xi32, #tpu.memory_space<hbm>>
      %dma_wait3A_163 = tpu.memref_squeeze %dma_wait3A_162 : memref<1x128xi32, #tpu.memory_space<hbm>> -> memref<128xi32, #tpu.memory_space<hbm>>
      %dma_wait3A_164 = arith.constant 0 : i32
      %dma_wait3A_165 = tpu.memref_slice %arg3[%add3A_160, %dma_wait3A_164] : memref<2560x128xi32, #tpu.memory_space<hbm>> -> memref<1x128xi32, #tpu.memory_space<hbm>>
      %dma_wait3A_166 = tpu.memref_squeeze %dma_wait3A_165 : memref<1x128xi32, #tpu.memory_space<hbm>> -> memref<128xi32, #tpu.memory_space<hbm>>
      tpu.wait_dma2 semaphore(%arg17 : memref<!tpu.dma_semaphore, #tpu.memory_space<semaphore_mem>>) src(%dma_wait3A_166 : memref<128xi32, #tpu.memory_space<hbm>>) dst(%arg11 : memref<128xi32, #tpu.memory_space<vmem>>)
      "tpu.region"() ({
        %run_scoped3A = tpu.sem_alloc : memref<!tpu.dma_semaphore, #tpu.memory_space<semaphore_mem>>
        %dma_start3A_243 = arith.constant 0 : i32
        %dma_start3A_244 = arith.constant 0 : i32
        %dma_start3A_245 = tpu.memref_slice %arg20[%dma_start3A_243, %dma_start3A_244] : memref<10240x128xf32, #tpu.memory_space<vmem_shared>> -> memref<10240x128xf32, #tpu.memory_space<vmem_shared>>
        tpu.enqueue_indirect_dma source(%arg9 : memref<128x128xf32, #tpu.memory_space<vmem>>) target(%dma_start3A_245 : memref<10240x128xf32, #tpu.memory_space<vmem_shared>>) offsets(%arg11 : memref<128xi32, #tpu.memory_space<vmem>>) semaphore(%run_scoped3A : memref<!tpu.dma_semaphore, #tpu.memory_space<semaphore_mem>>) {add = true}
        %dma_wait3A_246 = arith.constant 0 : i32
        %dma_wait3A_247 = arith.constant 0 : i32
        %dma_wait3A_248 = tpu.memref_slice %arg20[%dma_wait3A_246, %dma_wait3A_247] : memref<10240x128xf32, #tpu.memory_space<vmem_shared>> -> memref<10240x128xf32, #tpu.memory_space<vmem_shared>>
        tpu.wait_indirect_dma semaphore(%run_scoped3A : memref<!tpu.dma_semaphore, #tpu.memory_space<semaphore_mem>>) src(%arg9 : memref<128x128xf32, #tpu.memory_space<vmem>>) dst(%dma_wait3A_248 : memref<10240x128xf32, #tpu.memory_space<vmem_shared>>)
        tpu.yield
      }) : () -> ()
      %add3A_167 = arith.constant 2 : i32
      %add3A_168 = arith.addi %add3A_153, %add3A_167 : i32
      %lt3A_169 = arith.constant 40 : i32
      %lt3A_170 = arith.cmpi slt, %add3A_168, %lt3A_169 : i32
      %convert_element_type3A_171 = arith.extui %lt3A_170 : i1 to i32
      %cond3A_172 = arith.constant 0 : i32
      %cond3A_173 = arith.cmpi ne, %convert_element_type3A_171, %cond3A_172 : i32
      scf.if %cond3A_173 {
        %add3A_243 = arith.constant 2 : i32
        %add3A_244 = arith.addi %add3A_153, %add3A_243 : i32
        %dma_start3A_245 = arith.constant 0 : i32
        %dma_start3A_246 = tpu.memref_slice %arg7[%add3A_244, %dma_start3A_245] : memref<40x128xi32, #tpu.memory_space<vmem>> -> memref<1x128xi32, #tpu.memory_space<vmem>>
        %dma_start3A_247 = tpu.memref_squeeze %dma_start3A_246 : memref<1x128xi32, #tpu.memory_space<vmem>> -> memref<128xi32, #tpu.memory_space<vmem>>
        %dma_start3A_248 = arith.constant 0 : i32
        %dma_start3A_249 = arith.constant 0 : i32
        %dma_start3A_250 = tpu.memref_slice %arg4[%dma_start3A_248, %dma_start3A_249] : memref<10240x128xf32, #tpu.memory_space<hbm>> -> memref<10240x128xf32, #tpu.memory_space<hbm>>
        tpu.enqueue_indirect_dma source(%dma_start3A_250 : memref<10240x128xf32, #tpu.memory_space<hbm>>) target(%arg9 : memref<128x128xf32, #tpu.memory_space<vmem>>) offsets(%dma_start3A_247 : memref<128xi32, #tpu.memory_space<vmem>>) semaphore(%arg15 : memref<!tpu.dma_semaphore, #tpu.memory_space<semaphore_mem>>)
      } else {
      }
      %add3A_174 = arith.constant 4 : i32
      %add3A_175 = arith.addi %add3A_153, %add3A_174 : i32
      %lt3A_176 = arith.constant 40 : i32
      %lt3A_177 = arith.cmpi slt, %add3A_175, %lt3A_176 : i32
      %convert_element_type3A_178 = arith.extui %lt3A_177 : i1 to i32
      %cond3A_179 = arith.constant 0 : i32
      %cond3A_180 = arith.cmpi ne, %convert_element_type3A_178, %cond3A_179 : i32
      scf.if %cond3A_180 {
        %add3A_243 = arith.addi %add3A_12, %add3A_153 : i32
        %add3A_244 = arith.constant 4 : i32
        %add3A_245 = arith.addi %add3A_243, %add3A_244 : i32
        %dma_start3A_246 = arith.constant 0 : i32
        %dma_start3A_247 = tpu.memref_slice %arg3[%add3A_245, %dma_start3A_246] : memref<2560x128xi32, #tpu.memory_space<hbm>> -> memref<1x128xi32, #tpu.memory_space<hbm>>
        %dma_start3A_248 = tpu.memref_squeeze %dma_start3A_247 : memref<1x128xi32, #tpu.memory_space<hbm>> -> memref<128xi32, #tpu.memory_space<hbm>>
        %dma_start3A_249 = arith.constant 0 : i32
        %dma_start3A_250 = tpu.memref_slice %arg3[%add3A_245, %dma_start3A_249] : memref<2560x128xi32, #tpu.memory_space<hbm>> -> memref<1x128xi32, #tpu.memory_space<hbm>>
        %dma_start3A_251 = tpu.memref_squeeze %dma_start3A_250 : memref<1x128xi32, #tpu.memory_space<hbm>> -> memref<128xi32, #tpu.memory_space<hbm>>
        tpu.enqueue_dma source(%dma_start3A_251 : memref<128xi32, #tpu.memory_space<hbm>>) target(%arg11 : memref<128xi32, #tpu.memory_space<vmem>>) target_semaphore(%arg17 : memref<!tpu.dma_semaphore, #tpu.memory_space<semaphore_mem>>)
      } else {
      }
      %mul3A_181 = arith.constant 4 : i32
      %mul3A_182 = arith.muli %mul3A_181, %scan3A_120 : i32
      %add3A_183 = arith.constant 2 : i32
      %add3A_184 = arith.addi %mul3A_182, %add3A_183 : i32
      %dma_wait3A_185 = arith.constant 0 : i32
      %dma_wait3A_186 = tpu.memref_slice %arg7[%add3A_184, %dma_wait3A_185] : memref<40x128xi32, #tpu.memory_space<vmem>> -> memref<1x128xi32, #tpu.memory_space<vmem>>
      %dma_wait3A_187 = tpu.memref_squeeze %dma_wait3A_186 : memref<1x128xi32, #tpu.memory_space<vmem>> -> memref<128xi32, #tpu.memory_space<vmem>>
      %dma_wait3A_188 = arith.constant 0 : i32
      %dma_wait3A_189 = arith.constant 0 : i32
      %dma_wait3A_190 = tpu.memref_slice %arg4[%dma_wait3A_188, %dma_wait3A_189] : memref<10240x128xf32, #tpu.memory_space<hbm>> -> memref<10240x128xf32, #tpu.memory_space<hbm>>
      tpu.wait_indirect_dma semaphore(%arg14 : memref<!tpu.dma_semaphore, #tpu.memory_space<semaphore_mem>>) src(%dma_wait3A_190 : memref<10240x128xf32, #tpu.memory_space<hbm>>) dst(%arg8 : memref<128x128xf32, #tpu.memory_space<vmem>>)
      %add3A_191 = arith.addi %add3A_12, %add3A_184 : i32
      %dma_wait3A_192 = arith.constant 0 : i32
      %dma_wait3A_193 = tpu.memref_slice %arg3[%add3A_191, %dma_wait3A_192] : memref<2560x128xi32, #tpu.memory_space<hbm>> -> memref<1x128xi32, #tpu.memory_space<hbm>>
      %dma_wait3A_194 = tpu.memref_squeeze %dma_wait3A_193 : memref<1x128xi32, #tpu.memory_space<hbm>> -> memref<128xi32, #tpu.memory_space<hbm>>
      %dma_wait3A_195 = arith.constant 0 : i32
      %dma_wait3A_196 = tpu.memref_slice %arg3[%add3A_191, %dma_wait3A_195] : memref<2560x128xi32, #tpu.memory_space<hbm>> -> memref<1x128xi32, #tpu.memory_space<hbm>>
      %dma_wait3A_197 = tpu.memref_squeeze %dma_wait3A_196 : memref<1x128xi32, #tpu.memory_space<hbm>> -> memref<128xi32, #tpu.memory_space<hbm>>
      tpu.wait_dma2 semaphore(%arg18 : memref<!tpu.dma_semaphore, #tpu.memory_space<semaphore_mem>>) src(%dma_wait3A_197 : memref<128xi32, #tpu.memory_space<hbm>>) dst(%arg12 : memref<128xi32, #tpu.memory_space<vmem>>)
      "tpu.region"() ({
        %run_scoped3A = tpu.sem_alloc : memref<!tpu.dma_semaphore, #tpu.memory_space<semaphore_mem>>
        %dma_start3A_243 = arith.constant 0 : i32
        %dma_start3A_244 = arith.constant 0 : i32
        %dma_start3A_245 = tpu.memref_slice %arg20[%dma_start3A_243, %dma_start3A_244] : memref<10240x128xf32, #tpu.memory_space<vmem_shared>> -> memref<10240x128xf32, #tpu.memory_space<vmem_shared>>
        tpu.enqueue_indirect_dma source(%arg8 : memref<128x128xf32, #tpu.memory_space<vmem>>) target(%dma_start3A_245 : memref<10240x128xf32, #tpu.memory_space<vmem_shared>>) offsets(%arg12 : memref<128xi32, #tpu.memory_space<vmem>>) semaphore(%run_scoped3A : memref<!tpu.dma_semaphore, #tpu.memory_space<semaphore_mem>>) {add = true}
        %dma_wait3A_246 = arith.constant 0 : i32
        %dma_wait3A_247 = arith.constant 0 : i32
        %dma_wait3A_248 = tpu.memref_slice %arg20[%dma_wait3A_246, %dma_wait3A_247] : memref<10240x128xf32, #tpu.memory_space<vmem_shared>> -> memref<10240x128xf32, #tpu.memory_space<vmem_shared>>
        tpu.wait_indirect_dma semaphore(%run_scoped3A : memref<!tpu.dma_semaphore, #tpu.memory_space<semaphore_mem>>) src(%arg8 : memref<128x128xf32, #tpu.memory_space<vmem>>) dst(%dma_wait3A_248 : memref<10240x128xf32, #tpu.memory_space<vmem_shared>>)
        tpu.yield
      }) : () -> ()
      %add3A_198 = arith.constant 2 : i32
      %add3A_199 = arith.addi %add3A_184, %add3A_198 : i32
      %lt3A_200 = arith.constant 40 : i32
      %lt3A_201 = arith.cmpi slt, %add3A_199, %lt3A_200 : i32
      %convert_element_type3A_202 = arith.extui %lt3A_201 : i1 to i32
      %cond3A_203 = arith.constant 0 : i32
      %cond3A_204 = arith.cmpi ne, %convert_element_type3A_202, %cond3A_203 : i32
      scf.if %cond3A_204 {
        %add3A_243 = arith.constant 2 : i32
        %add3A_244 = arith.addi %add3A_184, %add3A_243 : i32
        %dma_start3A_245 = arith.constant 0 : i32
        %dma_start3A_246 = tpu.memref_slice %arg7[%add3A_244, %dma_start3A_245] : memref<40x128xi32, #tpu.memory_space<vmem>> -> memref<1x128xi32, #tpu.memory_space<vmem>>
        %dma_start3A_247 = tpu.memref_squeeze %dma_start3A_246 : memref<1x128xi32, #tpu.memory_space<vmem>> -> memref<128xi32, #tpu.memory_space<vmem>>
        %dma_start3A_248 = arith.constant 0 : i32
        %dma_start3A_249 = arith.constant 0 : i32
        %dma_start3A_250 = tpu.memref_slice %arg4[%dma_start3A_248, %dma_start3A_249] : memref<10240x128xf32, #tpu.memory_space<hbm>> -> memref<10240x128xf32, #tpu.memory_space<hbm>>
        tpu.enqueue_indirect_dma source(%dma_start3A_250 : memref<10240x128xf32, #tpu.memory_space<hbm>>) target(%arg8 : memref<128x128xf32, #tpu.memory_space<vmem>>) offsets(%dma_start3A_247 : memref<128xi32, #tpu.memory_space<vmem>>) semaphore(%arg14 : memref<!tpu.dma_semaphore, #tpu.memory_space<semaphore_mem>>)
      } else {
      }
      %add3A_205 = arith.constant 4 : i32
      %add3A_206 = arith.addi %add3A_184, %add3A_205 : i32
      %lt3A_207 = arith.constant 40 : i32
      %lt3A_208 = arith.cmpi slt, %add3A_206, %lt3A_207 : i32
      %convert_element_type3A_209 = arith.extui %lt3A_208 : i1 to i32
      %cond3A_210 = arith.constant 0 : i32
      %cond3A_211 = arith.cmpi ne, %convert_element_type3A_209, %cond3A_210 : i32
      scf.if %cond3A_211 {
        %add3A_243 = arith.addi %add3A_12, %add3A_184 : i32
        %add3A_244 = arith.constant 4 : i32
        %add3A_245 = arith.addi %add3A_243, %add3A_244 : i32
        %dma_start3A_246 = arith.constant 0 : i32
        %dma_start3A_247 = tpu.memref_slice %arg3[%add3A_245, %dma_start3A_246] : memref<2560x128xi32, #tpu.memory_space<hbm>> -> memref<1x128xi32, #tpu.memory_space<hbm>>
        %dma_start3A_248 = tpu.memref_squeeze %dma_start3A_247 : memref<1x128xi32, #tpu.memory_space<hbm>> -> memref<128xi32, #tpu.memory_space<hbm>>
        %dma_start3A_249 = arith.constant 0 : i32
        %dma_start3A_250 = tpu.memref_slice %arg3[%add3A_245, %dma_start3A_249] : memref<2560x128xi32, #tpu.memory_space<hbm>> -> memref<1x128xi32, #tpu.memory_space<hbm>>
        %dma_start3A_251 = tpu.memref_squeeze %dma_start3A_250 : memref<1x128xi32, #tpu.memory_space<hbm>> -> memref<128xi32, #tpu.memory_space<hbm>>
        tpu.enqueue_dma source(%dma_start3A_251 : memref<128xi32, #tpu.memory_space<hbm>>) target(%arg12 : memref<128xi32, #tpu.memory_space<vmem>>) target_semaphore(%arg18 : memref<!tpu.dma_semaphore, #tpu.memory_space<semaphore_mem>>)
      } else {
      }
      %mul3A_212 = arith.constant 4 : i32
      %mul3A_213 = arith.muli %mul3A_212, %scan3A_120 : i32
      %add3A_214 = arith.constant 3 : i32
      %add3A_215 = arith.addi %mul3A_213, %add3A_214 : i32
      %dma_wait3A_216 = arith.constant 0 : i32
      %dma_wait3A_217 = tpu.memref_slice %arg7[%add3A_215, %dma_wait3A_216] : memref<40x128xi32, #tpu.memory_space<vmem>> -> memref<1x128xi32, #tpu.memory_space<vmem>>
      %dma_wait3A_218 = tpu.memref_squeeze %dma_wait3A_217 : memref<1x128xi32, #tpu.memory_space<vmem>> -> memref<128xi32, #tpu.memory_space<vmem>>
      %dma_wait3A_219 = arith.constant 0 : i32
      %dma_wait3A_220 = arith.constant 0 : i32
      %dma_wait3A_221 = tpu.memref_slice %arg4[%dma_wait3A_219, %dma_wait3A_220] : memref<10240x128xf32, #tpu.memory_space<hbm>> -> memref<10240x128xf32, #tpu.memory_space<hbm>>
      tpu.wait_indirect_dma semaphore(%arg15 : memref<!tpu.dma_semaphore, #tpu.memory_space<semaphore_mem>>) src(%dma_wait3A_221 : memref<10240x128xf32, #tpu.memory_space<hbm>>) dst(%arg9 : memref<128x128xf32, #tpu.memory_space<vmem>>)
      %add3A_222 = arith.addi %add3A_12, %add3A_215 : i32
      %dma_wait3A_223 = arith.constant 0 : i32
      %dma_wait3A_224 = tpu.memref_slice %arg3[%add3A_222, %dma_wait3A_223] : memref<2560x128xi32, #tpu.memory_space<hbm>> -> memref<1x128xi32, #tpu.memory_space<hbm>>
      %dma_wait3A_225 = tpu.memref_squeeze %dma_wait3A_224 : memref<1x128xi32, #tpu.memory_space<hbm>> -> memref<128xi32, #tpu.memory_space<hbm>>
      %dma_wait3A_226 = arith.constant 0 : i32
      %dma_wait3A_227 = tpu.memref_slice %arg3[%add3A_222, %dma_wait3A_226] : memref<2560x128xi32, #tpu.memory_space<hbm>> -> memref<1x128xi32, #tpu.memory_space<hbm>>
      %dma_wait3A_228 = tpu.memref_squeeze %dma_wait3A_227 : memref<1x128xi32, #tpu.memory_space<hbm>> -> memref<128xi32, #tpu.memory_space<hbm>>
      tpu.wait_dma2 semaphore(%arg19 : memref<!tpu.dma_semaphore, #tpu.memory_space<semaphore_mem>>) src(%dma_wait3A_228 : memref<128xi32, #tpu.memory_space<hbm>>) dst(%arg13 : memref<128xi32, #tpu.memory_space<vmem>>)
      "tpu.region"() ({
        %run_scoped3A = tpu.sem_alloc : memref<!tpu.dma_semaphore, #tpu.memory_space<semaphore_mem>>
        %dma_start3A_243 = arith.constant 0 : i32
        %dma_start3A_244 = arith.constant 0 : i32
        %dma_start3A_245 = tpu.memref_slice %arg20[%dma_start3A_243, %dma_start3A_244] : memref<10240x128xf32, #tpu.memory_space<vmem_shared>> -> memref<10240x128xf32, #tpu.memory_space<vmem_shared>>
        tpu.enqueue_indirect_dma source(%arg9 : memref<128x128xf32, #tpu.memory_space<vmem>>) target(%dma_start3A_245 : memref<10240x128xf32, #tpu.memory_space<vmem_shared>>) offsets(%arg13 : memref<128xi32, #tpu.memory_space<vmem>>) semaphore(%run_scoped3A : memref<!tpu.dma_semaphore, #tpu.memory_space<semaphore_mem>>) {add = true}
        %dma_wait3A_246 = arith.constant 0 : i32
        %dma_wait3A_247 = arith.constant 0 : i32
        %dma_wait3A_248 = tpu.memref_slice %arg20[%dma_wait3A_246, %dma_wait3A_247] : memref<10240x128xf32, #tpu.memory_space<vmem_shared>> -> memref<10240x128xf32, #tpu.memory_space<vmem_shared>>
        tpu.wait_indirect_dma semaphore(%run_scoped3A : memref<!tpu.dma_semaphore, #tpu.memory_space<semaphore_mem>>) src(%arg9 : memref<128x128xf32, #tpu.memory_space<vmem>>) dst(%dma_wait3A_248 : memref<10240x128xf32, #tpu.memory_space<vmem_shared>>)
        tpu.yield
      }) : () -> ()
      %add3A_229 = arith.constant 2 : i32
      %add3A_230 = arith.addi %add3A_215, %add3A_229 : i32
      %lt3A_231 = arith.constant 40 : i32
      %lt3A_232 = arith.cmpi slt, %add3A_230, %lt3A_231 : i32
      %convert_element_type3A_233 = arith.extui %lt3A_232 : i1 to i32
      %cond3A_234 = arith.constant 0 : i32
      %cond3A_235 = arith.cmpi ne, %convert_element_type3A_233, %cond3A_234 : i32
      scf.if %cond3A_235 {
        %add3A_243 = arith.constant 2 : i32
        %add3A_244 = arith.addi %add3A_215, %add3A_243 : i32
        %dma_start3A_245 = arith.constant 0 : i32
        %dma_start3A_246 = tpu.memref_slice %arg7[%add3A_244, %dma_start3A_245] : memref<40x128xi32, #tpu.memory_space<vmem>> -> memref<1x128xi32, #tpu.memory_space<vmem>>
        %dma_start3A_247 = tpu.memref_squeeze %dma_start3A_246 : memref<1x128xi32, #tpu.memory_space<vmem>> -> memref<128xi32, #tpu.memory_space<vmem>>
        %dma_start3A_248 = arith.constant 0 : i32
        %dma_start3A_249 = arith.constant 0 : i32
        %dma_start3A_250 = tpu.memref_slice %arg4[%dma_start3A_248, %dma_start3A_249] : memref<10240x128xf32, #tpu.memory_space<hbm>> -> memref<10240x128xf32, #tpu.memory_space<hbm>>
        tpu.enqueue_indirect_dma source(%dma_start3A_250 : memref<10240x128xf32, #tpu.memory_space<hbm>>) target(%arg9 : memref<128x128xf32, #tpu.memory_space<vmem>>) offsets(%dma_start3A_247 : memref<128xi32, #tpu.memory_space<vmem>>) semaphore(%arg15 : memref<!tpu.dma_semaphore, #tpu.memory_space<semaphore_mem>>)
      } else {
      }
      %add3A_236 = arith.constant 4 : i32
      %add3A_237 = arith.addi %add3A_215, %add3A_236 : i32
      %lt3A_238 = arith.constant 40 : i32
      %lt3A_239 = arith.cmpi slt, %add3A_237, %lt3A_238 : i32
      %convert_element_type3A_240 = arith.extui %lt3A_239 : i1 to i32
      %cond3A_241 = arith.constant 0 : i32
      %cond3A_242 = arith.cmpi ne, %convert_element_type3A_240, %cond3A_241 : i32
      scf.if %cond3A_242 {
        %add3A_243 = arith.addi %add3A_12, %add3A_215 : i32
        %add3A_244 = arith.constant 4 : i32
        %add3A_245 = arith.addi %add3A_243, %add3A_244 : i32
        %dma_start3A_246 = arith.constant 0 : i32
        %dma_start3A_247 = tpu.memref_slice %arg3[%add3A_245, %dma_start3A_246] : memref<2560x128xi32, #tpu.memory_space<hbm>> -> memref<1x128xi32, #tpu.memory_space<hbm>>
        %dma_start3A_248 = tpu.memref_squeeze %dma_start3A_247 : memref<1x128xi32, #tpu.memory_space<hbm>> -> memref<128xi32, #tpu.memory_space<hbm>>
        %dma_start3A_249 = arith.constant 0 : i32
        %dma_start3A_250 = tpu.memref_slice %arg3[%add3A_245, %dma_start3A_249] : memref<2560x128xi32, #tpu.memory_space<hbm>> -> memref<1x128xi32, #tpu.memory_space<hbm>>
        %dma_start3A_251 = tpu.memref_squeeze %dma_start3A_250 : memref<1x128xi32, #tpu.memory_space<hbm>> -> memref<128xi32, #tpu.memory_space<hbm>>
        tpu.enqueue_dma source(%dma_start3A_251 : memref<128xi32, #tpu.memory_space<hbm>>) target(%arg13 : memref<128xi32, #tpu.memory_space<vmem>>) target_semaphore(%arg19 : memref<!tpu.dma_semaphore, #tpu.memory_space<semaphore_mem>>)
      } else {
      }
    }
    %scan3A_62 = arith.constant 10 : i32
    %mul3A_63 = arith.constant 80 : i32
    %mul3A_64 = arith.muli %add3A, %mul3A_63 : i32
    %add3A_65 = arith.constant 40 : i32
    %add3A_66 = arith.addi %mul3A_64, %add3A_65 : i32
    "tpu.region"() ({
      %run_scoped3A = tpu.sem_alloc : memref<!tpu.dma_semaphore, #tpu.memory_space<semaphore_mem>>
      %dma_start3A_120 = arith.constant 0 : i32
      %dma_start3A_121 = tpu.memref_slice %arg2[%add3A_66, %dma_start3A_120] : memref<2560x128xi32, #tpu.memory_space<hbm>> -> memref<40x128xi32, #tpu.memory_space<hbm>>
      %dma_start3A_122 = arith.constant 0 : i32
      %dma_start3A_123 = tpu.memref_slice %arg2[%add3A_66, %dma_start3A_122] : memref<2560x128xi32, #tpu.memory_space<hbm>> -> memref<40x128xi32, #tpu.memory_space<hbm>>
      tpu.enqueue_dma source(%dma_start3A_123 : memref<40x128xi32, #tpu.memory_space<hbm>>) target(%arg7 : memref<40x128xi32, #tpu.memory_space<vmem>>) target_semaphore(%run_scoped3A : memref<!tpu.dma_semaphore, #tpu.memory_space<semaphore_mem>>)
      %dma_wait3A = arith.constant 0 : i32
      %dma_wait3A_124 = tpu.memref_slice %arg2[%add3A_66, %dma_wait3A] : memref<2560x128xi32, #tpu.memory_space<hbm>> -> memref<40x128xi32, #tpu.memory_space<hbm>>
      %dma_wait3A_125 = arith.constant 0 : i32
      %dma_wait3A_126 = tpu.memref_slice %arg2[%add3A_66, %dma_wait3A_125] : memref<2560x128xi32, #tpu.memory_space<hbm>> -> memref<40x128xi32, #tpu.memory_space<hbm>>
      tpu.wait_dma2 semaphore(%run_scoped3A : memref<!tpu.dma_semaphore, #tpu.memory_space<semaphore_mem>>) src(%dma_wait3A_126 : memref<40x128xi32, #tpu.memory_space<hbm>>) dst(%arg7 : memref<40x128xi32, #tpu.memory_space<vmem>>)
      tpu.yield
    }) : () -> ()
    %add3A_67 = arith.constant 0 : i32
    %add3A_68 = arith.addi %add3A_66, %add3A_67 : i32
    %dma_start3A_69 = arith.constant 0 : i32
    %dma_start3A_70 = tpu.memref_slice %arg3[%add3A_68, %dma_start3A_69] : memref<2560x128xi32, #tpu.memory_space<hbm>> -> memref<1x128xi32, #tpu.memory_space<hbm>>
    %dma_start3A_71 = tpu.memref_squeeze %dma_start3A_70 : memref<1x128xi32, #tpu.memory_space<hbm>> -> memref<128xi32, #tpu.memory_space<hbm>>
    %dma_start3A_72 = arith.constant 0 : i32
    %dma_start3A_73 = tpu.memref_slice %arg3[%add3A_68, %dma_start3A_72] : memref<2560x128xi32, #tpu.memory_space<hbm>> -> memref<1x128xi32, #tpu.memory_space<hbm>>
    %dma_start3A_74 = tpu.memref_squeeze %dma_start3A_73 : memref<1x128xi32, #tpu.memory_space<hbm>> -> memref<128xi32, #tpu.memory_space<hbm>>
    tpu.enqueue_dma source(%dma_start3A_74 : memref<128xi32, #tpu.memory_space<hbm>>) target(%arg10 : memref<128xi32, #tpu.memory_space<vmem>>) target_semaphore(%arg16 : memref<!tpu.dma_semaphore, #tpu.memory_space<semaphore_mem>>)
    %add3A_75 = arith.constant 1 : i32
    %add3A_76 = arith.addi %add3A_66, %add3A_75 : i32
    %dma_start3A_77 = arith.constant 0 : i32
    %dma_start3A_78 = tpu.memref_slice %arg3[%add3A_76, %dma_start3A_77] : memref<2560x128xi32, #tpu.memory_space<hbm>> -> memref<1x128xi32, #tpu.memory_space<hbm>>
    %dma_start3A_79 = tpu.memref_squeeze %dma_start3A_78 : memref<1x128xi32, #tpu.memory_space<hbm>> -> memref<128xi32, #tpu.memory_space<hbm>>
    %dma_start3A_80 = arith.constant 0 : i32
    %dma_start3A_81 = tpu.memref_slice %arg3[%add3A_76, %dma_start3A_80] : memref<2560x128xi32, #tpu.memory_space<hbm>> -> memref<1x128xi32, #tpu.memory_space<hbm>>
    %dma_start3A_82 = tpu.memref_squeeze %dma_start3A_81 : memref<1x128xi32, #tpu.memory_space<hbm>> -> memref<128xi32, #tpu.memory_space<hbm>>
    tpu.enqueue_dma source(%dma_start3A_82 : memref<128xi32, #tpu.memory_space<hbm>>) target(%arg11 : memref<128xi32, #tpu.memory_space<vmem>>) target_semaphore(%arg17 : memref<!tpu.dma_semaphore, #tpu.memory_space<semaphore_mem>>)
    %add3A_83 = arith.constant 2 : i32
    %add3A_84 = arith.addi %add3A_66, %add3A_83 : i32
    %dma_start3A_85 = arith.constant 0 : i32
    %dma_start3A_86 = tpu.memref_slice %arg3[%add3A_84, %dma_start3A_85] : memref<2560x128xi32, #tpu.memory_space<hbm>> -> memref<1x128xi32, #tpu.memory_space<hbm>>
    %dma_start3A_87 = tpu.memref_squeeze %dma_start3A_86 : memref<1x128xi32, #tpu.memory_space<hbm>> -> memref<128xi32, #tpu.memory_space<hbm>>
    %dma_start3A_88 = arith.constant 0 : i32
    %dma_start3A_89 = tpu.memref_slice %arg3[%add3A_84, %dma_start3A_88] : memref<2560x128xi32, #tpu.memory_space<hbm>> -> memref<1x128xi32, #tpu.memory_space<hbm>>
    %dma_start3A_90 = tpu.memref_squeeze %dma_start3A_89 : memref<1x128xi32, #tpu.memory_space<hbm>> -> memref<128xi32, #tpu.memory_space<hbm>>
    tpu.enqueue_dma source(%dma_start3A_90 : memref<128xi32, #tpu.memory_space<hbm>>) target(%arg12 : memref<128xi32, #tpu.memory_space<vmem>>) target_semaphore(%arg18 : memref<!tpu.dma_semaphore, #tpu.memory_space<semaphore_mem>>)
    %add3A_91 = arith.constant 3 : i32
    %add3A_92 = arith.addi %add3A_66, %add3A_91 : i32
    %dma_start3A_93 = arith.constant 0 : i32
    %dma_start3A_94 = tpu.memref_slice %arg3[%add3A_92, %dma_start3A_93] : memref<2560x128xi32, #tpu.memory_space<hbm>> -> memref<1x128xi32, #tpu.memory_space<hbm>>
    %dma_start3A_95 = tpu.memref_squeeze %dma_start3A_94 : memref<1x128xi32, #tpu.memory_space<hbm>> -> memref<128xi32, #tpu.memory_space<hbm>>
    %dma_start3A_96 = arith.constant 0 : i32
    %dma_start3A_97 = tpu.memref_slice %arg3[%add3A_92, %dma_start3A_96] : memref<2560x128xi32, #tpu.memory_space<hbm>> -> memref<1x128xi32, #tpu.memory_space<hbm>>
    %dma_start3A_98 = tpu.memref_squeeze %dma_start3A_97 : memref<1x128xi32, #tpu.memory_space<hbm>> -> memref<128xi32, #tpu.memory_space<hbm>>
    tpu.enqueue_dma source(%dma_start3A_98 : memref<128xi32, #tpu.memory_space<hbm>>) target(%arg13 : memref<128xi32, #tpu.memory_space<vmem>>) target_semaphore(%arg19 : memref<!tpu.dma_semaphore, #tpu.memory_space<semaphore_mem>>)
    %dma_start3A_99 = arith.constant 0 : i32
    %dma_start3A_100 = arith.constant 0 : i32
    %dma_start3A_101 = tpu.memref_slice %arg7[%dma_start3A_99, %dma_start3A_100] : memref<40x128xi32, #tpu.memory_space<vmem>> -> memref<1x128xi32, #tpu.memory_space<vmem>>
    %dma_start3A_102 = tpu.memref_squeeze %dma_start3A_101 : memref<1x128xi32, #tpu.memory_space<vmem>> -> memref<128xi32, #tpu.memory_space<vmem>>
    %dma_start3A_103 = arith.constant 0 : i32
    %dma_start3A_104 = arith.constant 0 : i32
    %dma_start3A_105 = tpu.memref_slice %arg4[%dma_start3A_103, %dma_start3A_104] : memref<10240x128xf32, #tpu.memory_space<hbm>> -> memref<10240x128xf32, #tpu.memory_space<hbm>>
    tpu.enqueue_indirect_dma source(%dma_start3A_105 : memref<10240x128xf32, #tpu.memory_space<hbm>>) target(%arg8 : memref<128x128xf32, #tpu.memory_space<vmem>>) offsets(%dma_start3A_102 : memref<128xi32, #tpu.memory_space<vmem>>) semaphore(%arg14 : memref<!tpu.dma_semaphore, #tpu.memory_space<semaphore_mem>>)
    %dma_start3A_106 = arith.constant 1 : i32
    %dma_start3A_107 = arith.constant 0 : i32
    %dma_start3A_108 = tpu.memref_slice %arg7[%dma_start3A_106, %dma_start3A_107] : memref<40x128xi32, #tpu.memory_space<vmem>> -> memref<1x128xi32, #tpu.memory_space<vmem>>
    %dma_start3A_109 = tpu.memref_squeeze %dma_start3A_108 : memref<1x128xi32, #tpu.memory_space<vmem>> -> memref<128xi32, #tpu.memory_space<vmem>>
    %dma_start3A_110 = arith.constant 0 : i32
    %dma_start3A_111 = arith.constant 0 : i32
    %dma_start3A_112 = tpu.memref_slice %arg4[%dma_start3A_110, %dma_start3A_111] : memref<10240x128xf32, #tpu.memory_space<hbm>> -> memref<10240x128xf32, #tpu.memory_space<hbm>>
    tpu.enqueue_indirect_dma source(%dma_start3A_112 : memref<10240x128xf32, #tpu.memory_space<hbm>>) target(%arg9 : memref<128x128xf32, #tpu.memory_space<vmem>>) offsets(%dma_start3A_109 : memref<128xi32, #tpu.memory_space<vmem>>) semaphore(%arg15 : memref<!tpu.dma_semaphore, #tpu.memory_space<semaphore_mem>>)
    %scan3A_113 = arith.constant 0 : i32
    %scan3A_114 = arith.constant 0 : i32
    %scan3A_115 = arith.constant 10 : i32
    %scan3A_116 = arith.addi %scan3A_114, %scan3A_115 : i32
    %scan3A_117 = arith.constant 1 : i32
    scf.for %scan3A_120 = %scan3A_114 to %scan3A_116 step %scan3A_117  : i32 {
      %mul3A_121 = arith.constant 4 : i32
      %mul3A_122 = arith.muli %mul3A_121, %scan3A_120 : i32
      %add3A_123 = arith.constant 0 : i32
      %add3A_124 = arith.addi %mul3A_122, %add3A_123 : i32
      %dma_wait3A = arith.constant 0 : i32
      %dma_wait3A_125 = tpu.memref_slice %arg7[%add3A_124, %dma_wait3A] : memref<40x128xi32, #tpu.memory_space<vmem>> -> memref<1x128xi32, #tpu.memory_space<vmem>>
      %dma_wait3A_126 = tpu.memref_squeeze %dma_wait3A_125 : memref<1x128xi32, #tpu.memory_space<vmem>> -> memref<128xi32, #tpu.memory_space<vmem>>
      %dma_wait3A_127 = arith.constant 0 : i32
      %dma_wait3A_128 = arith.constant 0 : i32
      %dma_wait3A_129 = tpu.memref_slice %arg4[%dma_wait3A_127, %dma_wait3A_128] : memref<10240x128xf32, #tpu.memory_space<hbm>> -> memref<10240x128xf32, #tpu.memory_space<hbm>>
      tpu.wait_indirect_dma semaphore(%arg14 : memref<!tpu.dma_semaphore, #tpu.memory_space<semaphore_mem>>) src(%dma_wait3A_129 : memref<10240x128xf32, #tpu.memory_space<hbm>>) dst(%arg8 : memref<128x128xf32, #tpu.memory_space<vmem>>)
      %add3A_130 = arith.addi %add3A_66, %add3A_124 : i32
      %dma_wait3A_131 = arith.constant 0 : i32
      %dma_wait3A_132 = tpu.memref_slice %arg3[%add3A_130, %dma_wait3A_131] : memref<2560x128xi32, #tpu.memory_space<hbm>> -> memref<1x128xi32, #tpu.memory_space<hbm>>
      %dma_wait3A_133 = tpu.memref_squeeze %dma_wait3A_132 : memref<1x128xi32, #tpu.memory_space<hbm>> -> memref<128xi32, #tpu.memory_space<hbm>>
      %dma_wait3A_134 = arith.constant 0 : i32
      %dma_wait3A_135 = tpu.memref_slice %arg3[%add3A_130, %dma_wait3A_134] : memref<2560x128xi32, #tpu.memory_space<hbm>> -> memref<1x128xi32, #tpu.memory_space<hbm>>
      %dma_wait3A_136 = tpu.memref_squeeze %dma_wait3A_135 : memref<1x128xi32, #tpu.memory_space<hbm>> -> memref<128xi32, #tpu.memory_space<hbm>>
      tpu.wait_dma2 semaphore(%arg16 : memref<!tpu.dma_semaphore, #tpu.memory_space<semaphore_mem>>) src(%dma_wait3A_136 : memref<128xi32, #tpu.memory_space<hbm>>) dst(%arg10 : memref<128xi32, #tpu.memory_space<vmem>>)
      "tpu.region"() ({
        %run_scoped3A = tpu.sem_alloc : memref<!tpu.dma_semaphore, #tpu.memory_space<semaphore_mem>>
        %dma_start3A_243 = arith.constant 0 : i32
        %dma_start3A_244 = arith.constant 0 : i32
        %dma_start3A_245 = tpu.memref_slice %arg20[%dma_start3A_243, %dma_start3A_244] : memref<10240x128xf32, #tpu.memory_space<vmem_shared>> -> memref<10240x128xf32, #tpu.memory_space<vmem_shared>>
        tpu.enqueue_indirect_dma source(%arg8 : memref<128x128xf32, #tpu.memory_space<vmem>>) target(%dma_start3A_245 : memref<10240x128xf32, #tpu.memory_space<vmem_shared>>) offsets(%arg10 : memref<128xi32, #tpu.memory_space<vmem>>) semaphore(%run_scoped3A : memref<!tpu.dma_semaphore, #tpu.memory_space<semaphore_mem>>) {add = true}
        %dma_wait3A_246 = arith.constant 0 : i32
        %dma_wait3A_247 = arith.constant 0 : i32
        %dma_wait3A_248 = tpu.memref_slice %arg20[%dma_wait3A_246, %dma_wait3A_247] : memref<10240x128xf32, #tpu.memory_space<vmem_shared>> -> memref<10240x128xf32, #tpu.memory_space<vmem_shared>>
        tpu.wait_indirect_dma semaphore(%run_scoped3A : memref<!tpu.dma_semaphore, #tpu.memory_space<semaphore_mem>>) src(%arg8 : memref<128x128xf32, #tpu.memory_space<vmem>>) dst(%dma_wait3A_248 : memref<10240x128xf32, #tpu.memory_space<vmem_shared>>)
        tpu.yield
      }) : () -> ()
      %add3A_137 = arith.constant 2 : i32
      %add3A_138 = arith.addi %add3A_124, %add3A_137 : i32
      %lt3A = arith.constant 40 : i32
      %lt3A_139 = arith.cmpi slt, %add3A_138, %lt3A : i32
      %convert_element_type3A_140 = arith.extui %lt3A_139 : i1 to i32
      %cond3A_141 = arith.constant 0 : i32
      %cond3A_142 = arith.cmpi ne, %convert_element_type3A_140, %cond3A_141 : i32
      scf.if %cond3A_142 {
        %add3A_243 = arith.constant 2 : i32
        %add3A_244 = arith.addi %add3A_124, %add3A_243 : i32
        %dma_start3A_245 = arith.constant 0 : i32
        %dma_start3A_246 = tpu.memref_slice %arg7[%add3A_244, %dma_start3A_245] : memref<40x128xi32, #tpu.memory_space<vmem>> -> memref<1x128xi32, #tpu.memory_space<vmem>>
        %dma_start3A_247 = tpu.memref_squeeze %dma_start3A_246 : memref<1x128xi32, #tpu.memory_space<vmem>> -> memref<128xi32, #tpu.memory_space<vmem>>
        %dma_start3A_248 = arith.constant 0 : i32
        %dma_start3A_249 = arith.constant 0 : i32
        %dma_start3A_250 = tpu.memref_slice %arg4[%dma_start3A_248, %dma_start3A_249] : memref<10240x128xf32, #tpu.memory_space<hbm>> -> memref<10240x128xf32, #tpu.memory_space<hbm>>
        tpu.enqueue_indirect_dma source(%dma_start3A_250 : memref<10240x128xf32, #tpu.memory_space<hbm>>) target(%arg8 : memref<128x128xf32, #tpu.memory_space<vmem>>) offsets(%dma_start3A_247 : memref<128xi32, #tpu.memory_space<vmem>>) semaphore(%arg14 : memref<!tpu.dma_semaphore, #tpu.memory_space<semaphore_mem>>)
      } else {
      }
      %add3A_143 = arith.constant 4 : i32
      %add3A_144 = arith.addi %add3A_124, %add3A_143 : i32
      %lt3A_145 = arith.constant 40 : i32
      %lt3A_146 = arith.cmpi slt, %add3A_144, %lt3A_145 : i32
      %convert_element_type3A_147 = arith.extui %lt3A_146 : i1 to i32
      %cond3A_148 = arith.constant 0 : i32
      %cond3A_149 = arith.cmpi ne, %convert_element_type3A_147, %cond3A_148 : i32
      scf.if %cond3A_149 {
        %add3A_243 = arith.addi %add3A_66, %add3A_124 : i32
        %add3A_244 = arith.constant 4 : i32
        %add3A_245 = arith.addi %add3A_243, %add3A_244 : i32
        %dma_start3A_246 = arith.constant 0 : i32
        %dma_start3A_247 = tpu.memref_slice %arg3[%add3A_245, %dma_start3A_246] : memref<2560x128xi32, #tpu.memory_space<hbm>> -> memref<1x128xi32, #tpu.memory_space<hbm>>
        %dma_start3A_248 = tpu.memref_squeeze %dma_start3A_247 : memref<1x128xi32, #tpu.memory_space<hbm>> -> memref<128xi32, #tpu.memory_space<hbm>>
        %dma_start3A_249 = arith.constant 0 : i32
        %dma_start3A_250 = tpu.memref_slice %arg3[%add3A_245, %dma_start3A_249] : memref<2560x128xi32, #tpu.memory_space<hbm>> -> memref<1x128xi32, #tpu.memory_space<hbm>>
        %dma_start3A_251 = tpu.memref_squeeze %dma_start3A_250 : memref<1x128xi32, #tpu.memory_space<hbm>> -> memref<128xi32, #tpu.memory_space<hbm>>
        tpu.enqueue_dma source(%dma_start3A_251 : memref<128xi32, #tpu.memory_space<hbm>>) target(%arg10 : memref<128xi32, #tpu.memory_space<vmem>>) target_semaphore(%arg16 : memref<!tpu.dma_semaphore, #tpu.memory_space<semaphore_mem>>)
      } else {
      }
      %mul3A_150 = arith.constant 4 : i32
      %mul3A_151 = arith.muli %mul3A_150, %scan3A_120 : i32
      %add3A_152 = arith.constant 1 : i32
      %add3A_153 = arith.addi %mul3A_151, %add3A_152 : i32
      %dma_wait3A_154 = arith.constant 0 : i32
      %dma_wait3A_155 = tpu.memref_slice %arg7[%add3A_153, %dma_wait3A_154] : memref<40x128xi32, #tpu.memory_space<vmem>> -> memref<1x128xi32, #tpu.memory_space<vmem>>
      %dma_wait3A_156 = tpu.memref_squeeze %dma_wait3A_155 : memref<1x128xi32, #tpu.memory_space<vmem>> -> memref<128xi32, #tpu.memory_space<vmem>>
      %dma_wait3A_157 = arith.constant 0 : i32
      %dma_wait3A_158 = arith.constant 0 : i32
      %dma_wait3A_159 = tpu.memref_slice %arg4[%dma_wait3A_157, %dma_wait3A_158] : memref<10240x128xf32, #tpu.memory_space<hbm>> -> memref<10240x128xf32, #tpu.memory_space<hbm>>
      tpu.wait_indirect_dma semaphore(%arg15 : memref<!tpu.dma_semaphore, #tpu.memory_space<semaphore_mem>>) src(%dma_wait3A_159 : memref<10240x128xf32, #tpu.memory_space<hbm>>) dst(%arg9 : memref<128x128xf32, #tpu.memory_space<vmem>>)
      %add3A_160 = arith.addi %add3A_66, %add3A_153 : i32
      %dma_wait3A_161 = arith.constant 0 : i32
      %dma_wait3A_162 = tpu.memref_slice %arg3[%add3A_160, %dma_wait3A_161] : memref<2560x128xi32, #tpu.memory_space<hbm>> -> memref<1x128xi32, #tpu.memory_space<hbm>>
      %dma_wait3A_163 = tpu.memref_squeeze %dma_wait3A_162 : memref<1x128xi32, #tpu.memory_space<hbm>> -> memref<128xi32, #tpu.memory_space<hbm>>
      %dma_wait3A_164 = arith.constant 0 : i32
      %dma_wait3A_165 = tpu.memref_slice %arg3[%add3A_160, %dma_wait3A_164] : memref<2560x128xi32, #tpu.memory_space<hbm>> -> memref<1x128xi32, #tpu.memory_space<hbm>>
      %dma_wait3A_166 = tpu.memref_squeeze %dma_wait3A_165 : memref<1x128xi32, #tpu.memory_space<hbm>> -> memref<128xi32, #tpu.memory_space<hbm>>
      tpu.wait_dma2 semaphore(%arg17 : memref<!tpu.dma_semaphore, #tpu.memory_space<semaphore_mem>>) src(%dma_wait3A_166 : memref<128xi32, #tpu.memory_space<hbm>>) dst(%arg11 : memref<128xi32, #tpu.memory_space<vmem>>)
      "tpu.region"() ({
        %run_scoped3A = tpu.sem_alloc : memref<!tpu.dma_semaphore, #tpu.memory_space<semaphore_mem>>
        %dma_start3A_243 = arith.constant 0 : i32
        %dma_start3A_244 = arith.constant 0 : i32
        %dma_start3A_245 = tpu.memref_slice %arg20[%dma_start3A_243, %dma_start3A_244] : memref<10240x128xf32, #tpu.memory_space<vmem_shared>> -> memref<10240x128xf32, #tpu.memory_space<vmem_shared>>
        tpu.enqueue_indirect_dma source(%arg9 : memref<128x128xf32, #tpu.memory_space<vmem>>) target(%dma_start3A_245 : memref<10240x128xf32, #tpu.memory_space<vmem_shared>>) offsets(%arg11 : memref<128xi32, #tpu.memory_space<vmem>>) semaphore(%run_scoped3A : memref<!tpu.dma_semaphore, #tpu.memory_space<semaphore_mem>>) {add = true}
        %dma_wait3A_246 = arith.constant 0 : i32
        %dma_wait3A_247 = arith.constant 0 : i32
        %dma_wait3A_248 = tpu.memref_slice %arg20[%dma_wait3A_246, %dma_wait3A_247] : memref<10240x128xf32, #tpu.memory_space<vmem_shared>> -> memref<10240x128xf32, #tpu.memory_space<vmem_shared>>
        tpu.wait_indirect_dma semaphore(%run_scoped3A : memref<!tpu.dma_semaphore, #tpu.memory_space<semaphore_mem>>) src(%arg9 : memref<128x128xf32, #tpu.memory_space<vmem>>) dst(%dma_wait3A_248 : memref<10240x128xf32, #tpu.memory_space<vmem_shared>>)
        tpu.yield
      }) : () -> ()
      %add3A_167 = arith.constant 2 : i32
      %add3A_168 = arith.addi %add3A_153, %add3A_167 : i32
      %lt3A_169 = arith.constant 40 : i32
      %lt3A_170 = arith.cmpi slt, %add3A_168, %lt3A_169 : i32
      %convert_element_type3A_171 = arith.extui %lt3A_170 : i1 to i32
      %cond3A_172 = arith.constant 0 : i32
      %cond3A_173 = arith.cmpi ne, %convert_element_type3A_171, %cond3A_172 : i32
      scf.if %cond3A_173 {
        %add3A_243 = arith.constant 2 : i32
        %add3A_244 = arith.addi %add3A_153, %add3A_243 : i32
        %dma_start3A_245 = arith.constant 0 : i32
        %dma_start3A_246 = tpu.memref_slice %arg7[%add3A_244, %dma_start3A_245] : memref<40x128xi32, #tpu.memory_space<vmem>> -> memref<1x128xi32, #tpu.memory_space<vmem>>
        %dma_start3A_247 = tpu.memref_squeeze %dma_start3A_246 : memref<1x128xi32, #tpu.memory_space<vmem>> -> memref<128xi32, #tpu.memory_space<vmem>>
        %dma_start3A_248 = arith.constant 0 : i32
        %dma_start3A_249 = arith.constant 0 : i32
        %dma_start3A_250 = tpu.memref_slice %arg4[%dma_start3A_248, %dma_start3A_249] : memref<10240x128xf32, #tpu.memory_space<hbm>> -> memref<10240x128xf32, #tpu.memory_space<hbm>>
        tpu.enqueue_indirect_dma source(%dma_start3A_250 : memref<10240x128xf32, #tpu.memory_space<hbm>>) target(%arg9 : memref<128x128xf32, #tpu.memory_space<vmem>>) offsets(%dma_start3A_247 : memref<128xi32, #tpu.memory_space<vmem>>) semaphore(%arg15 : memref<!tpu.dma_semaphore, #tpu.memory_space<semaphore_mem>>)
      } else {
      }
      %add3A_174 = arith.constant 4 : i32
      %add3A_175 = arith.addi %add3A_153, %add3A_174 : i32
      %lt3A_176 = arith.constant 40 : i32
      %lt3A_177 = arith.cmpi slt, %add3A_175, %lt3A_176 : i32
      %convert_element_type3A_178 = arith.extui %lt3A_177 : i1 to i32
      %cond3A_179 = arith.constant 0 : i32
      %cond3A_180 = arith.cmpi ne, %convert_element_type3A_178, %cond3A_179 : i32
      scf.if %cond3A_180 {
        %add3A_243 = arith.addi %add3A_66, %add3A_153 : i32
        %add3A_244 = arith.constant 4 : i32
        %add3A_245 = arith.addi %add3A_243, %add3A_244 : i32
        %dma_start3A_246 = arith.constant 0 : i32
        %dma_start3A_247 = tpu.memref_slice %arg3[%add3A_245, %dma_start3A_246] : memref<2560x128xi32, #tpu.memory_space<hbm>> -> memref<1x128xi32, #tpu.memory_space<hbm>>
        %dma_start3A_248 = tpu.memref_squeeze %dma_start3A_247 : memref<1x128xi32, #tpu.memory_space<hbm>> -> memref<128xi32, #tpu.memory_space<hbm>>
        %dma_start3A_249 = arith.constant 0 : i32
        %dma_start3A_250 = tpu.memref_slice %arg3[%add3A_245, %dma_start3A_249] : memref<2560x128xi32, #tpu.memory_space<hbm>> -> memref<1x128xi32, #tpu.memory_space<hbm>>
        %dma_start3A_251 = tpu.memref_squeeze %dma_start3A_250 : memref<1x128xi32, #tpu.memory_space<hbm>> -> memref<128xi32, #tpu.memory_space<hbm>>
        tpu.enqueue_dma source(%dma_start3A_251 : memref<128xi32, #tpu.memory_space<hbm>>) target(%arg11 : memref<128xi32, #tpu.memory_space<vmem>>) target_semaphore(%arg17 : memref<!tpu.dma_semaphore, #tpu.memory_space<semaphore_mem>>)
      } else {
      }
      %mul3A_181 = arith.constant 4 : i32
      %mul3A_182 = arith.muli %mul3A_181, %scan3A_120 : i32
      %add3A_183 = arith.constant 2 : i32
      %add3A_184 = arith.addi %mul3A_182, %add3A_183 : i32
      %dma_wait3A_185 = arith.constant 0 : i32
      %dma_wait3A_186 = tpu.memref_slice %arg7[%add3A_184, %dma_wait3A_185] : memref<40x128xi32, #tpu.memory_space<vmem>> -> memref<1x128xi32, #tpu.memory_space<vmem>>
      %dma_wait3A_187 = tpu.memref_squeeze %dma_wait3A_186 : memref<1x128xi32, #tpu.memory_space<vmem>> -> memref<128xi32, #tpu.memory_space<vmem>>
      %dma_wait3A_188 = arith.constant 0 : i32
      %dma_wait3A_189 = arith.constant 0 : i32
      %dma_wait3A_190 = tpu.memref_slice %arg4[%dma_wait3A_188, %dma_wait3A_189] : memref<10240x128xf32, #tpu.memory_space<hbm>> -> memref<10240x128xf32, #tpu.memory_space<hbm>>
      tpu.wait_indirect_dma semaphore(%arg14 : memref<!tpu.dma_semaphore, #tpu.memory_space<semaphore_mem>>) src(%dma_wait3A_190 : memref<10240x128xf32, #tpu.memory_space<hbm>>) dst(%arg8 : memref<128x128xf32, #tpu.memory_space<vmem>>)
      %add3A_191 = arith.addi %add3A_66, %add3A_184 : i32
      %dma_wait3A_192 = arith.constant 0 : i32
      %dma_wait3A_193 = tpu.memref_slice %arg3[%add3A_191, %dma_wait3A_192] : memref<2560x128xi32, #tpu.memory_space<hbm>> -> memref<1x128xi32, #tpu.memory_space<hbm>>
      %dma_wait3A_194 = tpu.memref_squeeze %dma_wait3A_193 : memref<1x128xi32, #tpu.memory_space<hbm>> -> memref<128xi32, #tpu.memory_space<hbm>>
      %dma_wait3A_195 = arith.constant 0 : i32
      %dma_wait3A_196 = tpu.memref_slice %arg3[%add3A_191, %dma_wait3A_195] : memref<2560x128xi32, #tpu.memory_space<hbm>> -> memref<1x128xi32, #tpu.memory_space<hbm>>
      %dma_wait3A_197 = tpu.memref_squeeze %dma_wait3A_196 : memref<1x128xi32, #tpu.memory_space<hbm>> -> memref<128xi32, #tpu.memory_space<hbm>>
      tpu.wait_dma2 semaphore(%arg18 : memref<!tpu.dma_semaphore, #tpu.memory_space<semaphore_mem>>) src(%dma_wait3A_197 : memref<128xi32, #tpu.memory_space<hbm>>) dst(%arg12 : memref<128xi32, #tpu.memory_space<vmem>>)
      "tpu.region"() ({
        %run_scoped3A = tpu.sem_alloc : memref<!tpu.dma_semaphore, #tpu.memory_space<semaphore_mem>>
        %dma_start3A_243 = arith.constant 0 : i32
        %dma_start3A_244 = arith.constant 0 : i32
        %dma_start3A_245 = tpu.memref_slice %arg20[%dma_start3A_243, %dma_start3A_244] : memref<10240x128xf32, #tpu.memory_space<vmem_shared>> -> memref<10240x128xf32, #tpu.memory_space<vmem_shared>>
        tpu.enqueue_indirect_dma source(%arg8 : memref<128x128xf32, #tpu.memory_space<vmem>>) target(%dma_start3A_245 : memref<10240x128xf32, #tpu.memory_space<vmem_shared>>) offsets(%arg12 : memref<128xi32, #tpu.memory_space<vmem>>) semaphore(%run_scoped3A : memref<!tpu.dma_semaphore, #tpu.memory_space<semaphore_mem>>) {add = true}
        %dma_wait3A_246 = arith.constant 0 : i32
        %dma_wait3A_247 = arith.constant 0 : i32
        %dma_wait3A_248 = tpu.memref_slice %arg20[%dma_wait3A_246, %dma_wait3A_247] : memref<10240x128xf32, #tpu.memory_space<vmem_shared>> -> memref<10240x128xf32, #tpu.memory_space<vmem_shared>>
        tpu.wait_indirect_dma semaphore(%run_scoped3A : memref<!tpu.dma_semaphore, #tpu.memory_space<semaphore_mem>>) src(%arg8 : memref<128x128xf32, #tpu.memory_space<vmem>>) dst(%dma_wait3A_248 : memref<10240x128xf32, #tpu.memory_space<vmem_shared>>)
        tpu.yield
      }) : () -> ()
      %add3A_198 = arith.constant 2 : i32
      %add3A_199 = arith.addi %add3A_184, %add3A_198 : i32
      %lt3A_200 = arith.constant 40 : i32
      %lt3A_201 = arith.cmpi slt, %add3A_199, %lt3A_200 : i32
      %convert_element_type3A_202 = arith.extui %lt3A_201 : i1 to i32
      %cond3A_203 = arith.constant 0 : i32
      %cond3A_204 = arith.cmpi ne, %convert_element_type3A_202, %cond3A_203 : i32
      scf.if %cond3A_204 {
        %add3A_243 = arith.constant 2 : i32
        %add3A_244 = arith.addi %add3A_184, %add3A_243 : i32
        %dma_start3A_245 = arith.constant 0 : i32
        %dma_start3A_246 = tpu.memref_slice %arg7[%add3A_244, %dma_start3A_245] : memref<40x128xi32, #tpu.memory_space<vmem>> -> memref<1x128xi32, #tpu.memory_space<vmem>>
        %dma_start3A_247 = tpu.memref_squeeze %dma_start3A_246 : memref<1x128xi32, #tpu.memory_space<vmem>> -> memref<128xi32, #tpu.memory_space<vmem>>
        %dma_start3A_248 = arith.constant 0 : i32
        %dma_start3A_249 = arith.constant 0 : i32
        %dma_start3A_250 = tpu.memref_slice %arg4[%dma_start3A_248, %dma_start3A_249] : memref<10240x128xf32, #tpu.memory_space<hbm>> -> memref<10240x128xf32, #tpu.memory_space<hbm>>
        tpu.enqueue_indirect_dma source(%dma_start3A_250 : memref<10240x128xf32, #tpu.memory_space<hbm>>) target(%arg8 : memref<128x128xf32, #tpu.memory_space<vmem>>) offsets(%dma_start3A_247 : memref<128xi32, #tpu.memory_space<vmem>>) semaphore(%arg14 : memref<!tpu.dma_semaphore, #tpu.memory_space<semaphore_mem>>)
      } else {
      }
      %add3A_205 = arith.constant 4 : i32
      %add3A_206 = arith.addi %add3A_184, %add3A_205 : i32
      %lt3A_207 = arith.constant 40 : i32
      %lt3A_208 = arith.cmpi slt, %add3A_206, %lt3A_207 : i32
      %convert_element_type3A_209 = arith.extui %lt3A_208 : i1 to i32
      %cond3A_210 = arith.constant 0 : i32
      %cond3A_211 = arith.cmpi ne, %convert_element_type3A_209, %cond3A_210 : i32
      scf.if %cond3A_211 {
        %add3A_243 = arith.addi %add3A_66, %add3A_184 : i32
        %add3A_244 = arith.constant 4 : i32
        %add3A_245 = arith.addi %add3A_243, %add3A_244 : i32
        %dma_start3A_246 = arith.constant 0 : i32
        %dma_start3A_247 = tpu.memref_slice %arg3[%add3A_245, %dma_start3A_246] : memref<2560x128xi32, #tpu.memory_space<hbm>> -> memref<1x128xi32, #tpu.memory_space<hbm>>
        %dma_start3A_248 = tpu.memref_squeeze %dma_start3A_247 : memref<1x128xi32, #tpu.memory_space<hbm>> -> memref<128xi32, #tpu.memory_space<hbm>>
        %dma_start3A_249 = arith.constant 0 : i32
        %dma_start3A_250 = tpu.memref_slice %arg3[%add3A_245, %dma_start3A_249] : memref<2560x128xi32, #tpu.memory_space<hbm>> -> memref<1x128xi32, #tpu.memory_space<hbm>>
        %dma_start3A_251 = tpu.memref_squeeze %dma_start3A_250 : memref<1x128xi32, #tpu.memory_space<hbm>> -> memref<128xi32, #tpu.memory_space<hbm>>
        tpu.enqueue_dma source(%dma_start3A_251 : memref<128xi32, #tpu.memory_space<hbm>>) target(%arg12 : memref<128xi32, #tpu.memory_space<vmem>>) target_semaphore(%arg18 : memref<!tpu.dma_semaphore, #tpu.memory_space<semaphore_mem>>)
      } else {
      }
      %mul3A_212 = arith.constant 4 : i32
      %mul3A_213 = arith.muli %mul3A_212, %scan3A_120 : i32
      %add3A_214 = arith.constant 3 : i32
      %add3A_215 = arith.addi %mul3A_213, %add3A_214 : i32
      %dma_wait3A_216 = arith.constant 0 : i32
      %dma_wait3A_217 = tpu.memref_slice %arg7[%add3A_215, %dma_wait3A_216] : memref<40x128xi32, #tpu.memory_space<vmem>> -> memref<1x128xi32, #tpu.memory_space<vmem>>
      %dma_wait3A_218 = tpu.memref_squeeze %dma_wait3A_217 : memref<1x128xi32, #tpu.memory_space<vmem>> -> memref<128xi32, #tpu.memory_space<vmem>>
      %dma_wait3A_219 = arith.constant 0 : i32
      %dma_wait3A_220 = arith.constant 0 : i32
      %dma_wait3A_221 = tpu.memref_slice %arg4[%dma_wait3A_219, %dma_wait3A_220] : memref<10240x128xf32, #tpu.memory_space<hbm>> -> memref<10240x128xf32, #tpu.memory_space<hbm>>
      tpu.wait_indirect_dma semaphore(%arg15 : memref<!tpu.dma_semaphore, #tpu.memory_space<semaphore_mem>>) src(%dma_wait3A_221 : memref<10240x128xf32, #tpu.memory_space<hbm>>) dst(%arg9 : memref<128x128xf32, #tpu.memory_space<vmem>>)
      %add3A_222 = arith.addi %add3A_66, %add3A_215 : i32
      %dma_wait3A_223 = arith.constant 0 : i32
      %dma_wait3A_224 = tpu.memref_slice %arg3[%add3A_222, %dma_wait3A_223] : memref<2560x128xi32, #tpu.memory_space<hbm>> -> memref<1x128xi32, #tpu.memory_space<hbm>>
      %dma_wait3A_225 = tpu.memref_squeeze %dma_wait3A_224 : memref<1x128xi32, #tpu.memory_space<hbm>> -> memref<128xi32, #tpu.memory_space<hbm>>
      %dma_wait3A_226 = arith.constant 0 : i32
      %dma_wait3A_227 = tpu.memref_slice %arg3[%add3A_222, %dma_wait3A_226] : memref<2560x128xi32, #tpu.memory_space<hbm>> -> memref<1x128xi32, #tpu.memory_space<hbm>>
      %dma_wait3A_228 = tpu.memref_squeeze %dma_wait3A_227 : memref<1x128xi32, #tpu.memory_space<hbm>> -> memref<128xi32, #tpu.memory_space<hbm>>
      tpu.wait_dma2 semaphore(%arg19 : memref<!tpu.dma_semaphore, #tpu.memory_space<semaphore_mem>>) src(%dma_wait3A_228 : memref<128xi32, #tpu.memory_space<hbm>>) dst(%arg13 : memref<128xi32, #tpu.memory_space<vmem>>)
      "tpu.region"() ({
        %run_scoped3A = tpu.sem_alloc : memref<!tpu.dma_semaphore, #tpu.memory_space<semaphore_mem>>
        %dma_start3A_243 = arith.constant 0 : i32
        %dma_start3A_244 = arith.constant 0 : i32
        %dma_start3A_245 = tpu.memref_slice %arg20[%dma_start3A_243, %dma_start3A_244] : memref<10240x128xf32, #tpu.memory_space<vmem_shared>> -> memref<10240x128xf32, #tpu.memory_space<vmem_shared>>
        tpu.enqueue_indirect_dma source(%arg9 : memref<128x128xf32, #tpu.memory_space<vmem>>) target(%dma_start3A_245 : memref<10240x128xf32, #tpu.memory_space<vmem_shared>>) offsets(%arg13 : memref<128xi32, #tpu.memory_space<vmem>>) semaphore(%run_scoped3A : memref<!tpu.dma_semaphore, #tpu.memory_space<semaphore_mem>>) {add = true}
        %dma_wait3A_246 = arith.constant 0 : i32
        %dma_wait3A_247 = arith.constant 0 : i32
        %dma_wait3A_248 = tpu.memref_slice %arg20[%dma_wait3A_246, %dma_wait3A_247] : memref<10240x128xf32, #tpu.memory_space<vmem_shared>> -> memref<10240x128xf32, #tpu.memory_space<vmem_shared>>
        tpu.wait_indirect_dma semaphore(%run_scoped3A : memref<!tpu.dma_semaphore, #tpu.memory_space<semaphore_mem>>) src(%arg9 : memref<128x128xf32, #tpu.memory_space<vmem>>) dst(%dma_wait3A_248 : memref<10240x128xf32, #tpu.memory_space<vmem_shared>>)
        tpu.yield
      }) : () -> ()
      %add3A_229 = arith.constant 2 : i32
      %add3A_230 = arith.addi %add3A_215, %add3A_229 : i32
      %lt3A_231 = arith.constant 40 : i32
      %lt3A_232 = arith.cmpi slt, %add3A_230, %lt3A_231 : i32
      %convert_element_type3A_233 = arith.extui %lt3A_232 : i1 to i32
      %cond3A_234 = arith.constant 0 : i32
      %cond3A_235 = arith.cmpi ne, %convert_element_type3A_233, %cond3A_234 : i32
      scf.if %cond3A_235 {
        %add3A_243 = arith.constant 2 : i32
        %add3A_244 = arith.addi %add3A_215, %add3A_243 : i32
        %dma_start3A_245 = arith.constant 0 : i32
        %dma_start3A_246 = tpu.memref_slice %arg7[%add3A_244, %dma_start3A_245] : memref<40x128xi32, #tpu.memory_space<vmem>> -> memref<1x128xi32, #tpu.memory_space<vmem>>
        %dma_start3A_247 = tpu.memref_squeeze %dma_start3A_246 : memref<1x128xi32, #tpu.memory_space<vmem>> -> memref<128xi32, #tpu.memory_space<vmem>>
        %dma_start3A_248 = arith.constant 0 : i32
        %dma_start3A_249 = arith.constant 0 : i32
        %dma_start3A_250 = tpu.memref_slice %arg4[%dma_start3A_248, %dma_start3A_249] : memref<10240x128xf32, #tpu.memory_space<hbm>> -> memref<10240x128xf32, #tpu.memory_space<hbm>>
        tpu.enqueue_indirect_dma source(%dma_start3A_250 : memref<10240x128xf32, #tpu.memory_space<hbm>>) target(%arg9 : memref<128x128xf32, #tpu.memory_space<vmem>>) offsets(%dma_start3A_247 : memref<128xi32, #tpu.memory_space<vmem>>) semaphore(%arg15 : memref<!tpu.dma_semaphore, #tpu.memory_space<semaphore_mem>>)
      } else {
      }
      %add3A_236 = arith.constant 4 : i32
      %add3A_237 = arith.addi %add3A_215, %add3A_236 : i32
      %lt3A_238 = arith.constant 40 : i32
      %lt3A_239 = arith.cmpi slt, %add3A_237, %lt3A_238 : i32
      %convert_element_type3A_240 = arith.extui %lt3A_239 : i1 to i32
      %cond3A_241 = arith.constant 0 : i32
      %cond3A_242 = arith.cmpi ne, %convert_element_type3A_240, %cond3A_241 : i32
      scf.if %cond3A_242 {
        %add3A_243 = arith.addi %add3A_66, %add3A_215 : i32
        %add3A_244 = arith.constant 4 : i32
        %add3A_245 = arith.addi %add3A_243, %add3A_244 : i32
        %dma_start3A_246 = arith.constant 0 : i32
        %dma_start3A_247 = tpu.memref_slice %arg3[%add3A_245, %dma_start3A_246] : memref<2560x128xi32, #tpu.memory_space<hbm>> -> memref<1x128xi32, #tpu.memory_space<hbm>>
        %dma_start3A_248 = tpu.memref_squeeze %dma_start3A_247 : memref<1x128xi32, #tpu.memory_space<hbm>> -> memref<128xi32, #tpu.memory_space<hbm>>
        %dma_start3A_249 = arith.constant 0 : i32
        %dma_start3A_250 = tpu.memref_slice %arg3[%add3A_245, %dma_start3A_249] : memref<2560x128xi32, #tpu.memory_space<hbm>> -> memref<1x128xi32, #tpu.memory_space<hbm>>
        %dma_start3A_251 = tpu.memref_squeeze %dma_start3A_250 : memref<1x128xi32, #tpu.memory_space<hbm>> -> memref<128xi32, #tpu.memory_space<hbm>>
        tpu.enqueue_dma source(%dma_start3A_251 : memref<128xi32, #tpu.memory_space<hbm>>) target(%arg13 : memref<128xi32, #tpu.memory_space<vmem>>) target_semaphore(%arg19 : memref<!tpu.dma_semaphore, #tpu.memory_space<semaphore_mem>>)
      } else {
      }
    }
    %scan3A_118 = arith.constant 10 : i32
    %barrier3A_119 = arith.constant 0 : index
    tpu.barrier barrier_id(%barrier3A_119)
    "tpu.region"() ({
      %run_scoped3A = tpu.sem_alloc : memref<!tpu.dma_semaphore, #tpu.memory_space<semaphore_mem>>
      %dma_start3A_120 = arith.constant 0 : i32
      %dma_start3A_121 = tpu.memref_slice %arg6[%arg0, %mul3A_2, %dma_start3A_120] : memref<2x10240x128xf32, #tpu.memory_space<hbm>> -> memref<1x640x128xf32, #tpu.memory_space<hbm>>
      %dma_start3A_122 = tpu.memref_squeeze %dma_start3A_121 : memref<1x640x128xf32, #tpu.memory_space<hbm>> -> memref<640x128xf32, #tpu.memory_space<hbm>>
      %dma_start3A_123 = arith.constant 0 : i32
      %dma_start3A_124 = tpu.memref_slice %arg20[%mul3A_2, %dma_start3A_123] : memref<10240x128xf32, #tpu.memory_space<vmem_shared>> -> memref<640x128xf32, #tpu.memory_space<vmem_shared>>
      tpu.enqueue_dma source(%dma_start3A_124 : memref<640x128xf32, #tpu.memory_space<vmem_shared>>) target(%dma_start3A_122 : memref<640x128xf32, #tpu.memory_space<hbm>>) target_semaphore(%run_scoped3A : memref<!tpu.dma_semaphore, #tpu.memory_space<semaphore_mem>>)
      %dma_wait3A = arith.constant 0 : i32
      %dma_wait3A_125 = tpu.memref_slice %arg6[%arg0, %mul3A_2, %dma_wait3A] : memref<2x10240x128xf32, #tpu.memory_space<hbm>> -> memref<1x640x128xf32, #tpu.memory_space<hbm>>
      %dma_wait3A_126 = tpu.memref_squeeze %dma_wait3A_125 : memref<1x640x128xf32, #tpu.memory_space<hbm>> -> memref<640x128xf32, #tpu.memory_space<hbm>>
      %dma_wait3A_127 = arith.constant 0 : i32
      %dma_wait3A_128 = tpu.memref_slice %arg20[%mul3A_2, %dma_wait3A_127] : memref<10240x128xf32, #tpu.memory_space<vmem_shared>> -> memref<640x128xf32, #tpu.memory_space<vmem_shared>>
      tpu.wait_dma2 semaphore(%run_scoped3A : memref<!tpu.dma_semaphore, #tpu.memory_space<semaphore_mem>>) src(%dma_wait3A_128 : memref<640x128xf32, #tpu.memory_space<vmem_shared>>) dst(%dma_wait3A_126 : memref<640x128xf32, #tpu.memory_space<hbm>>)
      tpu.yield
    }) : () -> ()
    return
  }
}

#map = affine_map<(d0, d1) -> (0, 0)>
#map1 = affine_map<(d0, d1) -> (0, 0, 0)>
module attributes {stable_mosaic.version = 14 : i64} {
  func.func @_deg_body(%arg0: i32, %arg1: i32, %arg2: memref<2560x128xi32, #tpu.memory_space<hbm>>, %arg3: memref<128x128xf32, #tpu.memory_space<hbm>>, %arg4: memref<10240x128xf32, #tpu.memory_space<hbm>>, %arg5: memref<2x10240x128xf32, #tpu.memory_space<hbm>>, %arg6: memref<128x128xf32, #tpu.memory_space<vmem>>, %arg7: memref<128xi32, #tpu.memory_space<vmem>>, %arg8: memref<128xi32, #tpu.memory_space<vmem>>, %arg9: memref<128xi32, #tpu.memory_space<vmem>>, %arg10: memref<128xi32, #tpu.memory_space<vmem>>, %arg11: memref<!tpu.dma_semaphore, #tpu.memory_space<semaphore_mem>>, %arg12: memref<!tpu.dma_semaphore, #tpu.memory_space<semaphore_mem>>, %arg13: memref<!tpu.dma_semaphore, #tpu.memory_space<semaphore_mem>>, %arg14: memref<!tpu.dma_semaphore, #tpu.memory_space<semaphore_mem>>, %arg15: memref<10240x128xf32, #tpu.memory_space<vmem_shared>>) attributes {dimension_semantics = [#tpu.dimension_semantics<core_parallel>, #tpu.dimension_semantics<subcore_parallel>], iteration_bounds = array<i64: 2, 16>, scalar_prefetch = 0 : i64, scratch_operands = 10 : i64, tpu.core_type = #tpu.core_type<sc_vector_subcore>, window_params = [{transform_indices = #map}, {transform_indices = #map}, {transform_indices = #map}, {transform_indices = #map1}]} {
    %mul3A = arith.constant 2 : i32
    %mul3A_0 = arith.muli %arg1, %mul3A : i32
    %add3A = arith.addi %mul3A_0, %arg0 : i32
    %mul3A_1 = arith.constant 640 : i32
    %mul3A_2 = arith.muli %arg1, %mul3A_1 : i32
    %mul3A_3 = arith.constant 80 : i32
    %mul3A_4 = arith.muli %add3A, %mul3A_3 : i32
    "tpu.region"() ({
      %run_scoped3A = tpu.sem_alloc : memref<!tpu.dma_semaphore, #tpu.memory_space<semaphore_mem>>
      %dma_start3A_42 = arith.constant 0 : i32
      %dma_start3A_43 = tpu.memref_slice %arg15[%mul3A_2, %dma_start3A_42] : memref<10240x128xf32, #tpu.memory_space<vmem_shared>> -> memref<640x128xf32, #tpu.memory_space<vmem_shared>>
      %dma_start3A_44 = arith.constant 0 : i32
      %dma_start3A_45 = tpu.memref_slice %arg4[%mul3A_2, %dma_start3A_44] : memref<10240x128xf32, #tpu.memory_space<hbm>> -> memref<640x128xf32, #tpu.memory_space<hbm>>
      tpu.enqueue_dma source(%dma_start3A_45 : memref<640x128xf32, #tpu.memory_space<hbm>>) target(%dma_start3A_43 : memref<640x128xf32, #tpu.memory_space<vmem_shared>>) target_semaphore(%run_scoped3A : memref<!tpu.dma_semaphore, #tpu.memory_space<semaphore_mem>>)
      %dma_wait3A = arith.constant 0 : i32
      %dma_wait3A_46 = tpu.memref_slice %arg15[%mul3A_2, %dma_wait3A] : memref<10240x128xf32, #tpu.memory_space<vmem_shared>> -> memref<640x128xf32, #tpu.memory_space<vmem_shared>>
      %dma_wait3A_47 = arith.constant 0 : i32
      %dma_wait3A_48 = tpu.memref_slice %arg4[%mul3A_2, %dma_wait3A_47] : memref<10240x128xf32, #tpu.memory_space<hbm>> -> memref<640x128xf32, #tpu.memory_space<hbm>>
      tpu.wait_dma2 semaphore(%run_scoped3A : memref<!tpu.dma_semaphore, #tpu.memory_space<semaphore_mem>>) src(%dma_wait3A_48 : memref<640x128xf32, #tpu.memory_space<hbm>>) dst(%dma_wait3A_46 : memref<640x128xf32, #tpu.memory_space<vmem_shared>>)
      tpu.yield
    }) : () -> ()
    "tpu.region"() ({
      %run_scoped3A = tpu.sem_alloc : memref<!tpu.dma_semaphore, #tpu.memory_space<semaphore_mem>>
      tpu.enqueue_dma source(%arg3 : memref<128x128xf32, #tpu.memory_space<hbm>>) target(%arg6 : memref<128x128xf32, #tpu.memory_space<vmem>>) target_semaphore(%run_scoped3A : memref<!tpu.dma_semaphore, #tpu.memory_space<semaphore_mem>>)
      tpu.wait_dma2 semaphore(%run_scoped3A : memref<!tpu.dma_semaphore, #tpu.memory_space<semaphore_mem>>) src(%arg3 : memref<128x128xf32, #tpu.memory_space<hbm>>) dst(%arg6 : memref<128x128xf32, #tpu.memory_space<vmem>>)
      tpu.yield
    }) : () -> ()
    %barrier3A = arith.constant 0 : index
    tpu.barrier barrier_id(%barrier3A)
    %add3A_5 = arith.constant 0 : i32
    %add3A_6 = arith.addi %mul3A_4, %add3A_5 : i32
    %dma_start3A = arith.constant 0 : i32
    %dma_start3A_7 = tpu.memref_slice %arg2[%add3A_6, %dma_start3A] : memref<2560x128xi32, #tpu.memory_space<hbm>> -> memref<1x128xi32, #tpu.memory_space<hbm>>
    %dma_start3A_8 = tpu.memref_squeeze %dma_start3A_7 : memref<1x128xi32, #tpu.memory_space<hbm>> -> memref<128xi32, #tpu.memory_space<hbm>>
    %dma_start3A_9 = arith.constant 0 : i32
    %dma_start3A_10 = tpu.memref_slice %arg2[%add3A_6, %dma_start3A_9] : memref<2560x128xi32, #tpu.memory_space<hbm>> -> memref<1x128xi32, #tpu.memory_space<hbm>>
    %dma_start3A_11 = tpu.memref_squeeze %dma_start3A_10 : memref<1x128xi32, #tpu.memory_space<hbm>> -> memref<128xi32, #tpu.memory_space<hbm>>
    tpu.enqueue_dma source(%dma_start3A_11 : memref<128xi32, #tpu.memory_space<hbm>>) target(%arg7 : memref<128xi32, #tpu.memory_space<vmem>>) target_semaphore(%arg11 : memref<!tpu.dma_semaphore, #tpu.memory_space<semaphore_mem>>)
    %add3A_12 = arith.constant 1 : i32
    %add3A_13 = arith.addi %mul3A_4, %add3A_12 : i32
    %dma_start3A_14 = arith.constant 0 : i32
    %dma_start3A_15 = tpu.memref_slice %arg2[%add3A_13, %dma_start3A_14] : memref<2560x128xi32, #tpu.memory_space<hbm>> -> memref<1x128xi32, #tpu.memory_space<hbm>>
    %dma_start3A_16 = tpu.memref_squeeze %dma_start3A_15 : memref<1x128xi32, #tpu.memory_space<hbm>> -> memref<128xi32, #tpu.memory_space<hbm>>
    %dma_start3A_17 = arith.constant 0 : i32
    %dma_start3A_18 = tpu.memref_slice %arg2[%add3A_13, %dma_start3A_17] : memref<2560x128xi32, #tpu.memory_space<hbm>> -> memref<1x128xi32, #tpu.memory_space<hbm>>
    %dma_start3A_19 = tpu.memref_squeeze %dma_start3A_18 : memref<1x128xi32, #tpu.memory_space<hbm>> -> memref<128xi32, #tpu.memory_space<hbm>>
    tpu.enqueue_dma source(%dma_start3A_19 : memref<128xi32, #tpu.memory_space<hbm>>) target(%arg8 : memref<128xi32, #tpu.memory_space<vmem>>) target_semaphore(%arg12 : memref<!tpu.dma_semaphore, #tpu.memory_space<semaphore_mem>>)
    %add3A_20 = arith.constant 2 : i32
    %add3A_21 = arith.addi %mul3A_4, %add3A_20 : i32
    %dma_start3A_22 = arith.constant 0 : i32
    %dma_start3A_23 = tpu.memref_slice %arg2[%add3A_21, %dma_start3A_22] : memref<2560x128xi32, #tpu.memory_space<hbm>> -> memref<1x128xi32, #tpu.memory_space<hbm>>
    %dma_start3A_24 = tpu.memref_squeeze %dma_start3A_23 : memref<1x128xi32, #tpu.memory_space<hbm>> -> memref<128xi32, #tpu.memory_space<hbm>>
    %dma_start3A_25 = arith.constant 0 : i32
    %dma_start3A_26 = tpu.memref_slice %arg2[%add3A_21, %dma_start3A_25] : memref<2560x128xi32, #tpu.memory_space<hbm>> -> memref<1x128xi32, #tpu.memory_space<hbm>>
    %dma_start3A_27 = tpu.memref_squeeze %dma_start3A_26 : memref<1x128xi32, #tpu.memory_space<hbm>> -> memref<128xi32, #tpu.memory_space<hbm>>
    tpu.enqueue_dma source(%dma_start3A_27 : memref<128xi32, #tpu.memory_space<hbm>>) target(%arg9 : memref<128xi32, #tpu.memory_space<vmem>>) target_semaphore(%arg13 : memref<!tpu.dma_semaphore, #tpu.memory_space<semaphore_mem>>)
    %add3A_28 = arith.constant 3 : i32
    %add3A_29 = arith.addi %mul3A_4, %add3A_28 : i32
    %dma_start3A_30 = arith.constant 0 : i32
    %dma_start3A_31 = tpu.memref_slice %arg2[%add3A_29, %dma_start3A_30] : memref<2560x128xi32, #tpu.memory_space<hbm>> -> memref<1x128xi32, #tpu.memory_space<hbm>>
    %dma_start3A_32 = tpu.memref_squeeze %dma_start3A_31 : memref<1x128xi32, #tpu.memory_space<hbm>> -> memref<128xi32, #tpu.memory_space<hbm>>
    %dma_start3A_33 = arith.constant 0 : i32
    %dma_start3A_34 = tpu.memref_slice %arg2[%add3A_29, %dma_start3A_33] : memref<2560x128xi32, #tpu.memory_space<hbm>> -> memref<1x128xi32, #tpu.memory_space<hbm>>
    %dma_start3A_35 = tpu.memref_squeeze %dma_start3A_34 : memref<1x128xi32, #tpu.memory_space<hbm>> -> memref<128xi32, #tpu.memory_space<hbm>>
    tpu.enqueue_dma source(%dma_start3A_35 : memref<128xi32, #tpu.memory_space<hbm>>) target(%arg10 : memref<128xi32, #tpu.memory_space<vmem>>) target_semaphore(%arg14 : memref<!tpu.dma_semaphore, #tpu.memory_space<semaphore_mem>>)
    %scan3A = arith.constant 0 : i32
    %scan3A_36 = arith.constant 0 : i32
    %scan3A_37 = arith.constant 20 : i32
    %scan3A_38 = arith.addi %scan3A_36, %scan3A_37 : i32
    %scan3A_39 = arith.constant 1 : i32
    scf.for %scan3A_42 = %scan3A_36 to %scan3A_38 step %scan3A_39  : i32 {
      %mul3A_43 = arith.constant 4 : i32
      %mul3A_44 = arith.muli %mul3A_43, %scan3A_42 : i32
      %add3A_45 = arith.constant 0 : i32
      %add3A_46 = arith.addi %mul3A_44, %add3A_45 : i32
      %add3A_47 = arith.addi %mul3A_4, %add3A_46 : i32
      %dma_wait3A = arith.constant 0 : i32
      %dma_wait3A_48 = tpu.memref_slice %arg2[%add3A_47, %dma_wait3A] : memref<2560x128xi32, #tpu.memory_space<hbm>> -> memref<1x128xi32, #tpu.memory_space<hbm>>
      %dma_wait3A_49 = tpu.memref_squeeze %dma_wait3A_48 : memref<1x128xi32, #tpu.memory_space<hbm>> -> memref<128xi32, #tpu.memory_space<hbm>>
      %dma_wait3A_50 = arith.constant 0 : i32
      %dma_wait3A_51 = tpu.memref_slice %arg2[%add3A_47, %dma_wait3A_50] : memref<2560x128xi32, #tpu.memory_space<hbm>> -> memref<1x128xi32, #tpu.memory_space<hbm>>
      %dma_wait3A_52 = tpu.memref_squeeze %dma_wait3A_51 : memref<1x128xi32, #tpu.memory_space<hbm>> -> memref<128xi32, #tpu.memory_space<hbm>>
      tpu.wait_dma2 semaphore(%arg11 : memref<!tpu.dma_semaphore, #tpu.memory_space<semaphore_mem>>) src(%dma_wait3A_52 : memref<128xi32, #tpu.memory_space<hbm>>) dst(%arg7 : memref<128xi32, #tpu.memory_space<vmem>>)
      "tpu.region"() ({
        %run_scoped3A = tpu.sem_alloc : memref<!tpu.dma_semaphore, #tpu.memory_space<semaphore_mem>>
        %dma_start3A_111 = arith.constant 0 : i32
        %dma_start3A_112 = arith.constant 0 : i32
        %dma_start3A_113 = tpu.memref_slice %arg15[%dma_start3A_111, %dma_start3A_112] : memref<10240x128xf32, #tpu.memory_space<vmem_shared>> -> memref<10240x128xf32, #tpu.memory_space<vmem_shared>>
        tpu.enqueue_indirect_dma source(%arg6 : memref<128x128xf32, #tpu.memory_space<vmem>>) target(%dma_start3A_113 : memref<10240x128xf32, #tpu.memory_space<vmem_shared>>) offsets(%arg7 : memref<128xi32, #tpu.memory_space<vmem>>) semaphore(%run_scoped3A : memref<!tpu.dma_semaphore, #tpu.memory_space<semaphore_mem>>) {add = true}
        %dma_wait3A_114 = arith.constant 0 : i32
        %dma_wait3A_115 = arith.constant 0 : i32
        %dma_wait3A_116 = tpu.memref_slice %arg15[%dma_wait3A_114, %dma_wait3A_115] : memref<10240x128xf32, #tpu.memory_space<vmem_shared>> -> memref<10240x128xf32, #tpu.memory_space<vmem_shared>>
        tpu.wait_indirect_dma semaphore(%run_scoped3A : memref<!tpu.dma_semaphore, #tpu.memory_space<semaphore_mem>>) src(%arg6 : memref<128x128xf32, #tpu.memory_space<vmem>>) dst(%dma_wait3A_116 : memref<10240x128xf32, #tpu.memory_space<vmem_shared>>)
        tpu.yield
      }) : () -> ()
      %add3A_53 = arith.constant 4 : i32
      %add3A_54 = arith.addi %add3A_46, %add3A_53 : i32
      %lt3A = arith.constant 80 : i32
      %lt3A_55 = arith.cmpi slt, %add3A_54, %lt3A : i32
      %convert_element_type3A = arith.extui %lt3A_55 : i1 to i32
      %cond3A = arith.constant 0 : i32
      %cond3A_56 = arith.cmpi ne, %convert_element_type3A, %cond3A : i32
      scf.if %cond3A_56 {
        %add3A_111 = arith.addi %mul3A_4, %add3A_46 : i32
        %add3A_112 = arith.constant 4 : i32
        %add3A_113 = arith.addi %add3A_111, %add3A_112 : i32
        %dma_start3A_114 = arith.constant 0 : i32
        %dma_start3A_115 = tpu.memref_slice %arg2[%add3A_113, %dma_start3A_114] : memref<2560x128xi32, #tpu.memory_space<hbm>> -> memref<1x128xi32, #tpu.memory_space<hbm>>
        %dma_start3A_116 = tpu.memref_squeeze %dma_start3A_115 : memref<1x128xi32, #tpu.memory_space<hbm>> -> memref<128xi32, #tpu.memory_space<hbm>>
        %dma_start3A_117 = arith.constant 0 : i32
        %dma_start3A_118 = tpu.memref_slice %arg2[%add3A_113, %dma_start3A_117] : memref<2560x128xi32, #tpu.memory_space<hbm>> -> memref<1x128xi32, #tpu.memory_space<hbm>>
        %dma_start3A_119 = tpu.memref_squeeze %dma_start3A_118 : memref<1x128xi32, #tpu.memory_space<hbm>> -> memref<128xi32, #tpu.memory_space<hbm>>
        tpu.enqueue_dma source(%dma_start3A_119 : memref<128xi32, #tpu.memory_space<hbm>>) target(%arg7 : memref<128xi32, #tpu.memory_space<vmem>>) target_semaphore(%arg11 : memref<!tpu.dma_semaphore, #tpu.memory_space<semaphore_mem>>)
      } else {
      }
      %mul3A_57 = arith.constant 4 : i32
      %mul3A_58 = arith.muli %mul3A_57, %scan3A_42 : i32
      %add3A_59 = arith.constant 1 : i32
      %add3A_60 = arith.addi %mul3A_58, %add3A_59 : i32
      %add3A_61 = arith.addi %mul3A_4, %add3A_60 : i32
      %dma_wait3A_62 = arith.constant 0 : i32
      %dma_wait3A_63 = tpu.memref_slice %arg2[%add3A_61, %dma_wait3A_62] : memref<2560x128xi32, #tpu.memory_space<hbm>> -> memref<1x128xi32, #tpu.memory_space<hbm>>
      %dma_wait3A_64 = tpu.memref_squeeze %dma_wait3A_63 : memref<1x128xi32, #tpu.memory_space<hbm>> -> memref<128xi32, #tpu.memory_space<hbm>>
      %dma_wait3A_65 = arith.constant 0 : i32
      %dma_wait3A_66 = tpu.memref_slice %arg2[%add3A_61, %dma_wait3A_65] : memref<2560x128xi32, #tpu.memory_space<hbm>> -> memref<1x128xi32, #tpu.memory_space<hbm>>
      %dma_wait3A_67 = tpu.memref_squeeze %dma_wait3A_66 : memref<1x128xi32, #tpu.memory_space<hbm>> -> memref<128xi32, #tpu.memory_space<hbm>>
      tpu.wait_dma2 semaphore(%arg12 : memref<!tpu.dma_semaphore, #tpu.memory_space<semaphore_mem>>) src(%dma_wait3A_67 : memref<128xi32, #tpu.memory_space<hbm>>) dst(%arg8 : memref<128xi32, #tpu.memory_space<vmem>>)
      "tpu.region"() ({
        %run_scoped3A = tpu.sem_alloc : memref<!tpu.dma_semaphore, #tpu.memory_space<semaphore_mem>>
        %dma_start3A_111 = arith.constant 0 : i32
        %dma_start3A_112 = arith.constant 0 : i32
        %dma_start3A_113 = tpu.memref_slice %arg15[%dma_start3A_111, %dma_start3A_112] : memref<10240x128xf32, #tpu.memory_space<vmem_shared>> -> memref<10240x128xf32, #tpu.memory_space<vmem_shared>>
        tpu.enqueue_indirect_dma source(%arg6 : memref<128x128xf32, #tpu.memory_space<vmem>>) target(%dma_start3A_113 : memref<10240x128xf32, #tpu.memory_space<vmem_shared>>) offsets(%arg8 : memref<128xi32, #tpu.memory_space<vmem>>) semaphore(%run_scoped3A : memref<!tpu.dma_semaphore, #tpu.memory_space<semaphore_mem>>) {add = true}
        %dma_wait3A_114 = arith.constant 0 : i32
        %dma_wait3A_115 = arith.constant 0 : i32
        %dma_wait3A_116 = tpu.memref_slice %arg15[%dma_wait3A_114, %dma_wait3A_115] : memref<10240x128xf32, #tpu.memory_space<vmem_shared>> -> memref<10240x128xf32, #tpu.memory_space<vmem_shared>>
        tpu.wait_indirect_dma semaphore(%run_scoped3A : memref<!tpu.dma_semaphore, #tpu.memory_space<semaphore_mem>>) src(%arg6 : memref<128x128xf32, #tpu.memory_space<vmem>>) dst(%dma_wait3A_116 : memref<10240x128xf32, #tpu.memory_space<vmem_shared>>)
        tpu.yield
      }) : () -> ()
      %add3A_68 = arith.constant 4 : i32
      %add3A_69 = arith.addi %add3A_60, %add3A_68 : i32
      %lt3A_70 = arith.constant 80 : i32
      %lt3A_71 = arith.cmpi slt, %add3A_69, %lt3A_70 : i32
      %convert_element_type3A_72 = arith.extui %lt3A_71 : i1 to i32
      %cond3A_73 = arith.constant 0 : i32
      %cond3A_74 = arith.cmpi ne, %convert_element_type3A_72, %cond3A_73 : i32
      scf.if %cond3A_74 {
        %add3A_111 = arith.addi %mul3A_4, %add3A_60 : i32
        %add3A_112 = arith.constant 4 : i32
        %add3A_113 = arith.addi %add3A_111, %add3A_112 : i32
        %dma_start3A_114 = arith.constant 0 : i32
        %dma_start3A_115 = tpu.memref_slice %arg2[%add3A_113, %dma_start3A_114] : memref<2560x128xi32, #tpu.memory_space<hbm>> -> memref<1x128xi32, #tpu.memory_space<hbm>>
        %dma_start3A_116 = tpu.memref_squeeze %dma_start3A_115 : memref<1x128xi32, #tpu.memory_space<hbm>> -> memref<128xi32, #tpu.memory_space<hbm>>
        %dma_start3A_117 = arith.constant 0 : i32
        %dma_start3A_118 = tpu.memref_slice %arg2[%add3A_113, %dma_start3A_117] : memref<2560x128xi32, #tpu.memory_space<hbm>> -> memref<1x128xi32, #tpu.memory_space<hbm>>
        %dma_start3A_119 = tpu.memref_squeeze %dma_start3A_118 : memref<1x128xi32, #tpu.memory_space<hbm>> -> memref<128xi32, #tpu.memory_space<hbm>>
        tpu.enqueue_dma source(%dma_start3A_119 : memref<128xi32, #tpu.memory_space<hbm>>) target(%arg8 : memref<128xi32, #tpu.memory_space<vmem>>) target_semaphore(%arg12 : memref<!tpu.dma_semaphore, #tpu.memory_space<semaphore_mem>>)
      } else {
      }
      %mul3A_75 = arith.constant 4 : i32
      %mul3A_76 = arith.muli %mul3A_75, %scan3A_42 : i32
      %add3A_77 = arith.constant 2 : i32
      %add3A_78 = arith.addi %mul3A_76, %add3A_77 : i32
      %add3A_79 = arith.addi %mul3A_4, %add3A_78 : i32
      %dma_wait3A_80 = arith.constant 0 : i32
      %dma_wait3A_81 = tpu.memref_slice %arg2[%add3A_79, %dma_wait3A_80] : memref<2560x128xi32, #tpu.memory_space<hbm>> -> memref<1x128xi32, #tpu.memory_space<hbm>>
      %dma_wait3A_82 = tpu.memref_squeeze %dma_wait3A_81 : memref<1x128xi32, #tpu.memory_space<hbm>> -> memref<128xi32, #tpu.memory_space<hbm>>
      %dma_wait3A_83 = arith.constant 0 : i32
      %dma_wait3A_84 = tpu.memref_slice %arg2[%add3A_79, %dma_wait3A_83] : memref<2560x128xi32, #tpu.memory_space<hbm>> -> memref<1x128xi32, #tpu.memory_space<hbm>>
      %dma_wait3A_85 = tpu.memref_squeeze %dma_wait3A_84 : memref<1x128xi32, #tpu.memory_space<hbm>> -> memref<128xi32, #tpu.memory_space<hbm>>
      tpu.wait_dma2 semaphore(%arg13 : memref<!tpu.dma_semaphore, #tpu.memory_space<semaphore_mem>>) src(%dma_wait3A_85 : memref<128xi32, #tpu.memory_space<hbm>>) dst(%arg9 : memref<128xi32, #tpu.memory_space<vmem>>)
      "tpu.region"() ({
        %run_scoped3A = tpu.sem_alloc : memref<!tpu.dma_semaphore, #tpu.memory_space<semaphore_mem>>
        %dma_start3A_111 = arith.constant 0 : i32
        %dma_start3A_112 = arith.constant 0 : i32
        %dma_start3A_113 = tpu.memref_slice %arg15[%dma_start3A_111, %dma_start3A_112] : memref<10240x128xf32, #tpu.memory_space<vmem_shared>> -> memref<10240x128xf32, #tpu.memory_space<vmem_shared>>
        tpu.enqueue_indirect_dma source(%arg6 : memref<128x128xf32, #tpu.memory_space<vmem>>) target(%dma_start3A_113 : memref<10240x128xf32, #tpu.memory_space<vmem_shared>>) offsets(%arg9 : memref<128xi32, #tpu.memory_space<vmem>>) semaphore(%run_scoped3A : memref<!tpu.dma_semaphore, #tpu.memory_space<semaphore_mem>>) {add = true}
        %dma_wait3A_114 = arith.constant 0 : i32
        %dma_wait3A_115 = arith.constant 0 : i32
        %dma_wait3A_116 = tpu.memref_slice %arg15[%dma_wait3A_114, %dma_wait3A_115] : memref<10240x128xf32, #tpu.memory_space<vmem_shared>> -> memref<10240x128xf32, #tpu.memory_space<vmem_shared>>
        tpu.wait_indirect_dma semaphore(%run_scoped3A : memref<!tpu.dma_semaphore, #tpu.memory_space<semaphore_mem>>) src(%arg6 : memref<128x128xf32, #tpu.memory_space<vmem>>) dst(%dma_wait3A_116 : memref<10240x128xf32, #tpu.memory_space<vmem_shared>>)
        tpu.yield
      }) : () -> ()
      %add3A_86 = arith.constant 4 : i32
      %add3A_87 = arith.addi %add3A_78, %add3A_86 : i32
      %lt3A_88 = arith.constant 80 : i32
      %lt3A_89 = arith.cmpi slt, %add3A_87, %lt3A_88 : i32
      %convert_element_type3A_90 = arith.extui %lt3A_89 : i1 to i32
      %cond3A_91 = arith.constant 0 : i32
      %cond3A_92 = arith.cmpi ne, %convert_element_type3A_90, %cond3A_91 : i32
      scf.if %cond3A_92 {
        %add3A_111 = arith.addi %mul3A_4, %add3A_78 : i32
        %add3A_112 = arith.constant 4 : i32
        %add3A_113 = arith.addi %add3A_111, %add3A_112 : i32
        %dma_start3A_114 = arith.constant 0 : i32
        %dma_start3A_115 = tpu.memref_slice %arg2[%add3A_113, %dma_start3A_114] : memref<2560x128xi32, #tpu.memory_space<hbm>> -> memref<1x128xi32, #tpu.memory_space<hbm>>
        %dma_start3A_116 = tpu.memref_squeeze %dma_start3A_115 : memref<1x128xi32, #tpu.memory_space<hbm>> -> memref<128xi32, #tpu.memory_space<hbm>>
        %dma_start3A_117 = arith.constant 0 : i32
        %dma_start3A_118 = tpu.memref_slice %arg2[%add3A_113, %dma_start3A_117] : memref<2560x128xi32, #tpu.memory_space<hbm>> -> memref<1x128xi32, #tpu.memory_space<hbm>>
        %dma_start3A_119 = tpu.memref_squeeze %dma_start3A_118 : memref<1x128xi32, #tpu.memory_space<hbm>> -> memref<128xi32, #tpu.memory_space<hbm>>
        tpu.enqueue_dma source(%dma_start3A_119 : memref<128xi32, #tpu.memory_space<hbm>>) target(%arg9 : memref<128xi32, #tpu.memory_space<vmem>>) target_semaphore(%arg13 : memref<!tpu.dma_semaphore, #tpu.memory_space<semaphore_mem>>)
      } else {
      }
      %mul3A_93 = arith.constant 4 : i32
      %mul3A_94 = arith.muli %mul3A_93, %scan3A_42 : i32
      %add3A_95 = arith.constant 3 : i32
      %add3A_96 = arith.addi %mul3A_94, %add3A_95 : i32
      %add3A_97 = arith.addi %mul3A_4, %add3A_96 : i32
      %dma_wait3A_98 = arith.constant 0 : i32
      %dma_wait3A_99 = tpu.memref_slice %arg2[%add3A_97, %dma_wait3A_98] : memref<2560x128xi32, #tpu.memory_space<hbm>> -> memref<1x128xi32, #tpu.memory_space<hbm>>
      %dma_wait3A_100 = tpu.memref_squeeze %dma_wait3A_99 : memref<1x128xi32, #tpu.memory_space<hbm>> -> memref<128xi32, #tpu.memory_space<hbm>>
      %dma_wait3A_101 = arith.constant 0 : i32
      %dma_wait3A_102 = tpu.memref_slice %arg2[%add3A_97, %dma_wait3A_101] : memref<2560x128xi32, #tpu.memory_space<hbm>> -> memref<1x128xi32, #tpu.memory_space<hbm>>
      %dma_wait3A_103 = tpu.memref_squeeze %dma_wait3A_102 : memref<1x128xi32, #tpu.memory_space<hbm>> -> memref<128xi32, #tpu.memory_space<hbm>>
      tpu.wait_dma2 semaphore(%arg14 : memref<!tpu.dma_semaphore, #tpu.memory_space<semaphore_mem>>) src(%dma_wait3A_103 : memref<128xi32, #tpu.memory_space<hbm>>) dst(%arg10 : memref<128xi32, #tpu.memory_space<vmem>>)
      "tpu.region"() ({
        %run_scoped3A = tpu.sem_alloc : memref<!tpu.dma_semaphore, #tpu.memory_space<semaphore_mem>>
        %dma_start3A_111 = arith.constant 0 : i32
        %dma_start3A_112 = arith.constant 0 : i32
        %dma_start3A_113 = tpu.memref_slice %arg15[%dma_start3A_111, %dma_start3A_112] : memref<10240x128xf32, #tpu.memory_space<vmem_shared>> -> memref<10240x128xf32, #tpu.memory_space<vmem_shared>>
        tpu.enqueue_indirect_dma source(%arg6 : memref<128x128xf32, #tpu.memory_space<vmem>>) target(%dma_start3A_113 : memref<10240x128xf32, #tpu.memory_space<vmem_shared>>) offsets(%arg10 : memref<128xi32, #tpu.memory_space<vmem>>) semaphore(%run_scoped3A : memref<!tpu.dma_semaphore, #tpu.memory_space<semaphore_mem>>) {add = true}
        %dma_wait3A_114 = arith.constant 0 : i32
        %dma_wait3A_115 = arith.constant 0 : i32
        %dma_wait3A_116 = tpu.memref_slice %arg15[%dma_wait3A_114, %dma_wait3A_115] : memref<10240x128xf32, #tpu.memory_space<vmem_shared>> -> memref<10240x128xf32, #tpu.memory_space<vmem_shared>>
        tpu.wait_indirect_dma semaphore(%run_scoped3A : memref<!tpu.dma_semaphore, #tpu.memory_space<semaphore_mem>>) src(%arg6 : memref<128x128xf32, #tpu.memory_space<vmem>>) dst(%dma_wait3A_116 : memref<10240x128xf32, #tpu.memory_space<vmem_shared>>)
        tpu.yield
      }) : () -> ()
      %add3A_104 = arith.constant 4 : i32
      %add3A_105 = arith.addi %add3A_96, %add3A_104 : i32
      %lt3A_106 = arith.constant 80 : i32
      %lt3A_107 = arith.cmpi slt, %add3A_105, %lt3A_106 : i32
      %convert_element_type3A_108 = arith.extui %lt3A_107 : i1 to i32
      %cond3A_109 = arith.constant 0 : i32
      %cond3A_110 = arith.cmpi ne, %convert_element_type3A_108, %cond3A_109 : i32
      scf.if %cond3A_110 {
        %add3A_111 = arith.addi %mul3A_4, %add3A_96 : i32
        %add3A_112 = arith.constant 4 : i32
        %add3A_113 = arith.addi %add3A_111, %add3A_112 : i32
        %dma_start3A_114 = arith.constant 0 : i32
        %dma_start3A_115 = tpu.memref_slice %arg2[%add3A_113, %dma_start3A_114] : memref<2560x128xi32, #tpu.memory_space<hbm>> -> memref<1x128xi32, #tpu.memory_space<hbm>>
        %dma_start3A_116 = tpu.memref_squeeze %dma_start3A_115 : memref<1x128xi32, #tpu.memory_space<hbm>> -> memref<128xi32, #tpu.memory_space<hbm>>
        %dma_start3A_117 = arith.constant 0 : i32
        %dma_start3A_118 = tpu.memref_slice %arg2[%add3A_113, %dma_start3A_117] : memref<2560x128xi32, #tpu.memory_space<hbm>> -> memref<1x128xi32, #tpu.memory_space<hbm>>
        %dma_start3A_119 = tpu.memref_squeeze %dma_start3A_118 : memref<1x128xi32, #tpu.memory_space<hbm>> -> memref<128xi32, #tpu.memory_space<hbm>>
        tpu.enqueue_dma source(%dma_start3A_119 : memref<128xi32, #tpu.memory_space<hbm>>) target(%arg10 : memref<128xi32, #tpu.memory_space<vmem>>) target_semaphore(%arg14 : memref<!tpu.dma_semaphore, #tpu.memory_space<semaphore_mem>>)
      } else {
      }
    }
    %scan3A_40 = arith.constant 20 : i32
    %barrier3A_41 = arith.constant 0 : index
    tpu.barrier barrier_id(%barrier3A_41)
    "tpu.region"() ({
      %run_scoped3A = tpu.sem_alloc : memref<!tpu.dma_semaphore, #tpu.memory_space<semaphore_mem>>
      %dma_start3A_42 = arith.constant 0 : i32
      %dma_start3A_43 = tpu.memref_slice %arg5[%arg0, %mul3A_2, %dma_start3A_42] : memref<2x10240x128xf32, #tpu.memory_space<hbm>> -> memref<1x640x128xf32, #tpu.memory_space<hbm>>
      %dma_start3A_44 = tpu.memref_squeeze %dma_start3A_43 : memref<1x640x128xf32, #tpu.memory_space<hbm>> -> memref<640x128xf32, #tpu.memory_space<hbm>>
      %dma_start3A_45 = arith.constant 0 : i32
      %dma_start3A_46 = tpu.memref_slice %arg15[%mul3A_2, %dma_start3A_45] : memref<10240x128xf32, #tpu.memory_space<vmem_shared>> -> memref<640x128xf32, #tpu.memory_space<vmem_shared>>
      tpu.enqueue_dma source(%dma_start3A_46 : memref<640x128xf32, #tpu.memory_space<vmem_shared>>) target(%dma_start3A_44 : memref<640x128xf32, #tpu.memory_space<hbm>>) target_semaphore(%run_scoped3A : memref<!tpu.dma_semaphore, #tpu.memory_space<semaphore_mem>>)
      %dma_wait3A = arith.constant 0 : i32
      %dma_wait3A_47 = tpu.memref_slice %arg5[%arg0, %mul3A_2, %dma_wait3A] : memref<2x10240x128xf32, #tpu.memory_space<hbm>> -> memref<1x640x128xf32, #tpu.memory_space<hbm>>
      %dma_wait3A_48 = tpu.memref_squeeze %dma_wait3A_47 : memref<1x640x128xf32, #tpu.memory_space<hbm>> -> memref<640x128xf32, #tpu.memory_space<hbm>>
      %dma_wait3A_49 = arith.constant 0 : i32
      %dma_wait3A_50 = tpu.memref_slice %arg15[%mul3A_2, %dma_wait3A_49] : memref<10240x128xf32, #tpu.memory_space<vmem_shared>> -> memref<640x128xf32, #tpu.memory_space<vmem_shared>>
      tpu.wait_dma2 semaphore(%run_scoped3A : memref<!tpu.dma_semaphore, #tpu.memory_space<semaphore_mem>>) src(%dma_wait3A_50 : memref<640x128xf32, #tpu.memory_space<vmem_shared>>) dst(%dma_wait3A_48 : memref<640x128xf32, #tpu.memory_space<hbm>>)
      tpu.yield
    }) : () -> ()
    return
  }
}

module attributes {stable_mosaic.version = 14 : i64} {
  func.func @_mm_body(%arg0: i32, %arg1: memref<640x128xf32, #tpu.memory_space<vmem>>, %arg2: memref<128x128xf32, #tpu.memory_space<vmem>>, %arg3: memref<2x640x128xf32, #tpu.memory_space<vmem>>, %arg4: memref<640x128xf32, #tpu.memory_space<vmem>>) attributes {dimension_semantics = [#tpu.dimension_semantics<arbitrary>], iteration_bounds = array<i64: 16>, scalar_prefetch = 0 : i64, scratch_operands = 0 : i64, tpu.core_type = #tpu.core_type<tc>, window_params = [{transform_indices = @transform_0, window_bounds = array<i64: 640, 128>}, {pipeline_mode = #tpu.pipeline_mode<synchronous>, transform_indices = @transform_1, window_bounds = array<i64: 128, 128>}, {transform_indices = @transform_2, window_bounds = array<i64: 2, 640, 128>}, {transform_indices = @transform_3, window_bounds = array<i64: 640, 128>}]} {
    %get3A = arith.constant 0 : index
    %get3A_0 = arith.constant 0 : index
    %get3A_1 = vector.load %arg1[%get3A, %get3A_0] : memref<640x128xf32, #tpu.memory_space<vmem>>, vector<640x128xf32>
    %get3A_2 = arith.constant 0 : index
    %get3A_3 = arith.constant 0 : index
    %get3A_4 = vector.load %arg2[%get3A_2, %get3A_3] : memref<128x128xf32, #tpu.memory_space<vmem>>, vector<128x128xf32>
    %dot_general3A = arith.constant dense<0.000000e+00> : vector<640x128xf32>
    %dot_general3A_5 = tpu.matmul %get3A_1, %get3A_4, %dot_general3A {dimension_numbers = #tpu.dot_dimension_numbers<[1], [0], [0], [1], [0, 0, 1, 1], [], []>, transpose_lhs_hint = false} : vector<640x128xf32>, vector<128x128xf32>, vector<640x128xf32> -> vector<640x128xf32>
    %get3A_6 = arith.constant 0 : index
    %get3A_7 = arith.constant 0 : index
    %get3A_8 = arith.constant 0 : index
    %get3A_9 = vector.load %arg3[%get3A_6, %get3A_7, %get3A_8] : memref<2x640x128xf32, #tpu.memory_space<vmem>>, vector<1x640x1xf32>
    %get3A_10 = vector.shape_cast %get3A_9 : vector<1x640x1xf32> to vector<640x1xf32>
    %get3A_11 = arith.constant 1 : index
    %get3A_12 = arith.constant 0 : index
    %get3A_13 = arith.constant 0 : index
    %get3A_14 = vector.load %arg3[%get3A_11, %get3A_12, %get3A_13] : memref<2x640x128xf32, #tpu.memory_space<vmem>>, vector<1x640x1xf32>
    %get3A_15 = vector.shape_cast %get3A_14 : vector<1x640x1xf32> to vector<640x1xf32>
    %add3A = arith.addf %get3A_10, %get3A_15 : vector<640x1xf32>
    %add3A_16 = arith.constant 1.000000e+00 : f32
    %add3A_17 = vector.broadcast %add3A_16 : f32 to vector<640x1xf32>
    %add3A_18 = arith.addf %add3A, %add3A_17 : vector<640x1xf32>
    %rsqrt3A = math.rsqrt %add3A_18 : vector<640x1xf32>
    %mul3A = vector.broadcast %rsqrt3A : vector<640x1xf32> to vector<640x128xf32>
    %mul3A_19 = arith.mulf %dot_general3A_5, %mul3A : vector<640x128xf32>
    %swap3A = arith.constant 0 : index
    %swap3A_20 = arith.constant 0 : index
    %swap3A_21 = vector.load %arg4[%swap3A, %swap3A_20] : memref<640x128xf32, #tpu.memory_space<vmem>>, vector<640x128xf32>
    tpu.vector_store %arg4[%swap3A, %swap3A_20], %mul3A_19 {strides = array<i32>} : memref<640x128xf32, #tpu.memory_space<vmem>>, vector<640x128xf32>,
    return
  }
  func.func @transform_0(%arg0: i32) -> (i32, i32) {
    %c0_i32 = arith.constant 0 : i32
    %c0_i32_0 = arith.constant 0 : i32
    return %arg0, %c0_i32 : i32, i32
  }
  func.func @transform_1(%arg0: i32) -> (i32, i32) {
    %c0_i32 = arith.constant 0 : i32
    %c0_i32_0 = arith.constant 0 : i32
    %c0_i32_1 = arith.constant 0 : i32
    return %c0_i32, %c0_i32_0 : i32, i32
  }
  func.func @transform_2(%arg0: i32) -> (i32, i32, i32) {
    %c0_i32 = arith.constant 0 : i32
    %c0_i32_0 = arith.constant 0 : i32
    %c0_i32_1 = arith.constant 0 : i32
    return %c0_i32, %arg0, %c0_i32_0 : i32, i32, i32
  }
  func.func @transform_3(%arg0: i32) -> (i32, i32) {
    %c0_i32 = arith.constant 0 : i32
    %c0_i32_0 = arith.constant 0 : i32
    return %arg0, %c0_i32 : i32, i32
  }
}

module attributes {stable_mosaic.version = 14 : i64} {
  func.func @_comb_body(%arg0: i32, %arg1: memref<1x640x128xf32, #tpu.memory_space<vmem>>, %arg2: memref<1x640x128xf32, #tpu.memory_space<vmem>>, %arg3: memref<2x640x128xf32, #tpu.memory_space<vmem>>, %arg4: memref<1x128xf32, #tpu.memory_space<vmem>>, %arg5: memref<640x128xf32, #tpu.memory_space<vmem>>) attributes {dimension_semantics = [#tpu.dimension_semantics<arbitrary>], iteration_bounds = array<i64: 16>, scalar_prefetch = 0 : i64, scratch_operands = 0 : i64, tpu.core_type = #tpu.core_type<tc>, window_params = [{transform_indices = @transform_0, window_bounds = array<i64: 1, 640, 128>}, {transform_indices = @transform_1, window_bounds = array<i64: 1, 640, 128>}, {transform_indices = @transform_2, window_bounds = array<i64: 2, 640, 128>}, {pipeline_mode = #tpu.pipeline_mode<synchronous>, transform_indices = @transform_3, window_bounds = array<i64: 1, 128>}, {transform_indices = @transform_4, window_bounds = array<i64: 640, 128>}]} {
    %get3A = arith.constant 0 : index
    %get3A_0 = arith.constant 0 : index
    %get3A_1 = arith.constant 0 : index
    %get3A_2 = vector.load %arg3[%get3A, %get3A_0, %get3A_1] : memref<2x640x128xf32, #tpu.memory_space<vmem>>, vector<1x640x1xf32>
    %get3A_3 = vector.shape_cast %get3A_2 : vector<1x640x1xf32> to vector<640x1xf32>
    %get3A_4 = arith.constant 1 : index
    %get3A_5 = arith.constant 0 : index
    %get3A_6 = arith.constant 0 : index
    %get3A_7 = vector.load %arg3[%get3A_4, %get3A_5, %get3A_6] : memref<2x640x128xf32, #tpu.memory_space<vmem>>, vector<1x640x1xf32>
    %get3A_8 = vector.shape_cast %get3A_7 : vector<1x640x1xf32> to vector<640x1xf32>
    %add3A = arith.addf %get3A_3, %get3A_8 : vector<640x1xf32>
    %add3A_9 = arith.constant 1.000000e+00 : f32
    %add3A_10 = vector.broadcast %add3A_9 : f32 to vector<640x1xf32>
    %add3A_11 = arith.addf %add3A, %add3A_10 : vector<640x1xf32>
    %rsqrt3A = math.rsqrt %add3A_11 : vector<640x1xf32>
    %get3A_12 = arith.constant 0 : index
    %get3A_13 = arith.constant 0 : index
    %get3A_14 = arith.constant 0 : index
    %get3A_15 = vector.load %arg1[%get3A_12, %get3A_13, %get3A_14] : memref<1x640x128xf32, #tpu.memory_space<vmem>>, vector<1x640x128xf32>
    %get3A_16 = vector.shape_cast %get3A_15 : vector<1x640x128xf32> to vector<640x128xf32>
    %get3A_17 = arith.constant 0 : index
    %get3A_18 = arith.constant 0 : index
    %get3A_19 = arith.constant 0 : index
    %get3A_20 = vector.load %arg2[%get3A_17, %get3A_18, %get3A_19] : memref<1x640x128xf32, #tpu.memory_space<vmem>>, vector<1x640x128xf32>
    %get3A_21 = vector.shape_cast %get3A_20 : vector<1x640x128xf32> to vector<640x128xf32>
    %add3A_22 = arith.addf %get3A_16, %get3A_21 : vector<640x128xf32>
    %mul3A = vector.broadcast %rsqrt3A : vector<640x1xf32> to vector<640x128xf32>
    %mul3A_23 = arith.mulf %mul3A, %add3A_22 : vector<640x128xf32>
    %get3A_24 = arith.constant 0 : index
    %get3A_25 = arith.constant 0 : index
    %get3A_26 = vector.load %arg4[%get3A_24, %get3A_25] : memref<1x128xf32, #tpu.memory_space<vmem>>, vector<1x128xf32>
    %get3A_27 = vector.shape_cast %get3A_26 : vector<1x128xf32> to vector<128xf32>
    %broadcast_in_dim3A = vector.shape_cast %get3A_27 : vector<128xf32> to vector<1x128xf32>
    %add3A_28 = vector.broadcast %broadcast_in_dim3A : vector<1x128xf32> to vector<640x128xf32>
    %add3A_29 = arith.addf %mul3A_23, %add3A_28 : vector<640x128xf32>
    %swap3A = arith.constant 0 : index
    %swap3A_30 = arith.constant 0 : index
    %swap3A_31 = vector.load %arg5[%swap3A, %swap3A_30] : memref<640x128xf32, #tpu.memory_space<vmem>>, vector<640x128xf32>
    tpu.vector_store %arg5[%swap3A, %swap3A_30], %add3A_29 {strides = array<i32>} : memref<640x128xf32, #tpu.memory_space<vmem>>, vector<640x128xf32>,
    return
  }
  func.func @transform_0(%arg0: i32) -> (i32, i32, i32) {
    %c0_i32 = arith.constant 0 : i32
    %c0_i32_0 = arith.constant 0 : i32
    %c0_i32_1 = arith.constant 0 : i32
    return %c0_i32, %arg0, %c0_i32_0 : i32, i32, i32
  }
  func.func @transform_1(%arg0: i32) -> (i32, i32, i32) {
    %c1_i32 = arith.constant 1 : i32
    %c0_i32 = arith.constant 0 : i32
    %c0_i32_0 = arith.constant 0 : i32
    return %c1_i32, %arg0, %c0_i32 : i32, i32, i32
  }
  func.func @transform_2(%arg0: i32) -> (i32, i32, i32) {
    %c0_i32 = arith.constant 0 : i32
    %c0_i32_0 = arith.constant 0 : i32
    %c0_i32_1 = arith.constant 0 : i32
    return %c0_i32, %arg0, %c0_i32_0 : i32, i32, i32
  }
  func.func @transform_3(%arg0: i32) -> (i32, i32) {
    %c0_i32 = arith.constant 0 : i32
    %c0_i32_0 = arith.constant 0 : i32
    %c0_i32_1 = arith.constant 0 : i32
    return %c0_i32, %c0_i32_0 : i32, i32
  }
  func.func @transform_4(%arg0: i32) -> (i32, i32) {
    %c0_i32 = arith.constant 0 : i32
    %c0_i32_0 = arith.constant 0 : i32
    return %arg0, %c0_i32 : i32, i32
  }
}

</mosaic_0001>

<sc_bundles>
// kernel: kernel.6.cloned.1.call-start
scs
__scs_entry_jumppad:
0x0: {  	(pc) =	sbr.rel $0x88, $3  }
0x1: {  	(tag) =	ssettag $0x0;
	lr =	simm.s32 $0x1  }
0x2: {  	[smem:$0x3F9D] =	sst lr;
	_ =	strace $0xD0000000  }
0x3: {  	_ = 	snop  }
0x4: {  	_ = 	snop  }
0x5: {  	_ = 	snop  }
0x6: {  	_ = 	snop  }
0x7: {  	_ = 	snop  }
__scs_overlays_trampoline_lowered:
0x8: {  	[smem:$0x3FAC] =	sst s0  }
0x9: {  	[smem:$0x3FAD] =	sst s1  }
0xa: {  	[smem:$0x3FAE] =	sst s2  }
0xb: {  	[smem:$0x3FAF] =	sst s3  }
0xc: {  	[smem:$0x3FB0] =	sst s4  }
0xd: {  	[smem:$0x3FB1] =	sst s5  }
0xe: {  	[smem:$0x3FB2] =	sst s6  }
0xf: {  	[smem:$0x3FB3] =	sst s7  }
0x10: {  	[smem:$0x3FB4] =	sst s8  }
0x11: {  	[smem:$0x3FB5] =	sst s9;
	s0 =	simm.s32 @!p0 $0x0  }
0x12: {  	s1 =	sld [smem:$0x3F9B];
	s0 =	simm.s32 @p0 $0x1  }
0x13: {  	[smem:$0x3FB6] =	sst s0;
	s0 =	simm.s32 @!p1 $0x0  }
0x14: {  	s2 =	sld [smem:$0x3F9A];
	s0 =	simm.s32 @p1 $0x1  }
0x15: {  	[smem:$0x3FB7] =	sst s0;
	s0 =	simm.s32 @!p2 $0x0  }
0x16: {  	s3 =	sld [smem:$0x3FDB];
	s0 =	simm.s32 @p2 $0x1  }
0x17: {  	s4 =	simm.s32 $0x1BF5;
	[smem:$0x3FB9] =	sst s0  }
0x18: {  	s0 =	sld [smem:$0x3F9C];
	_ =	swait.ge [sflag:s4], $0x0  }
0x19: {  	s7 =	sld [smem:$0x3F9D]  }
0x1a: {  	s8 =	sadd.s32 $0xFFFFE003, lr  }
0x1b: {  	s9 =	sadd.s32 $0xFFFFFEF7, lr;
	s5 =	simm.s32 $0xFFFFFFFF;
	p2 =	slt.u32 s8, $0xFFFFF086  }
0x1c: {  	p1 =	slt.u32 s9, $0xF7A;
	s5 =	simm.s32 @!p2 $0x0  }
0x1d: {  	s5 =	simm.s32 @p1 $0x1;
	p0 =	seq.s32 s7, s2  }
0x1e: {  	s7 =	smul.u32 @!p0 $0xF7A, s2;
	p2 =	seq.s32 @!p0 s5, $0x0  }
0x1f: {  	s9 =	smul.u32 $0xF7A, s1;
	s8 =	simm.s32 @!p0 $0x1BF5;
	p2 =	por !p2, p0  }
0x20: {  	[sflag:s8] =	ssyncset.s32 @!p0 $0xFFFFF086;
	s6 =	sadd.s32 @!p0 s3, s7;
	s7 =	simm.s32 @!p0 $0x108  }
0x21: {  	s3 =	sadd.s32 s3, s9;
	s6 =	sadd.s32 @!p0 $0x88, s6;
	s7 =	simm.s32 @p2 $0x1082  }
0x22: {  	[simem:s7], [sflag:s8] =	dma.local @!p0 [hbm:s6], $0xF7A  }
0x23: {  	s9 =	sor.u32 $0xD0000000, s2;
	s6 =	simm.s32 $0x108;
	_ =	swait.ge @!p0 [sflag:s8], $0x0  }
0x24: {  	s3 =	sadd.s32 $0x88, s3;
	s6 =	simm.s32 @!p1 $0x1082;
	[sflag:s4] =	ssyncset.s32 $0xFFFFF086  }
0x25: {  	[simem:s6], [sflag:s4] =	dma.local [hbm:s3], $0xF7A  }
0x26: {  	[smem:$0x3F9D] =	sst s1;
	(tag) =	ssettag s2;
	_ =	strace s9  }
0x27: {  	s1 =	sld [smem:$0x3FAD]  }
0x28: {  	s2 =	sld [smem:$0x3FAE]  }
0x29: {  	s4 =	sld [smem:$0x3FB0]  }
0x2a: {  	p0 =	seq.s32 s5, $0x0;
	s5 =	sld [smem:$0x3FB1]  }
0x2b: {  	s6 =	sld [smem:$0x3FB2]  }
0x2c: {  	s7 =	sld [smem:$0x3FB3]  }
0x2d: {  	s3 =	simm.s32 $0x108;
	s8 =	sld [smem:$0x3FB4]  }
0x2e: {  	s3 =	simm.s32 @!p0 $0x1082;
	s9 =	sld [smem:$0x3FB5]  }
0x2f: {  	lr =	sadd.s32 s0, s3;
	s0 =	sld [smem:$0x3FAC]  }
0x30: {  	s3 =	sld [smem:$0x3FAF]  }
0x31: {  	[smem:$0x3FB8] =	sst s10  }
0x32: {  	s10 =	sld [smem:$0x3FB6];
	_ =	sdelay $0x3  }
0x33: {  	p0 =	seq.s32 s10, $0x1;
	s10 =	sld [smem:$0x3FB8];
	_ =	sdelay $0x3  }
0x34: {  	[smem:$0x3FB8] =	sst s10  }
0x35: {  	s10 =	sld [smem:$0x3FB7];
	_ =	sdelay $0x3  }
0x36: {  	p1 =	seq.s32 s10, $0x1;
	s10 =	sld [smem:$0x3FB8];
	_ =	sdelay $0x3  }
0x37: {  	[smem:$0x3FB8] =	sst s10  }
0x38: {  	s10 =	sld [smem:$0x3FB9]  }
0x39: {  	_ = 	snop;
	(pc) =	sbr.ind lr, $3  }
0x3a: {  	_ = 	snop  }
0x3b: {  	_ = 	snop  }
0x3c: {  	p2 =	seq.s32 s10, $0x1;
	s10 =	sld [smem:$0x3FB8]  }
0x3d: {  	_ =	shalt  }
0x3e: {  	_ =	shalt  }
0x3f: {  	_ =	shalt  }
0x40: {  	_ =	shalt  }
0x41: {  	_ =	shalt  }
0x42: {  	_ =	shalt  }
0x43: {  	_ =	shalt  }
0x44: {  	_ =	shalt  }
0x45: {  	_ =	shalt  }
0x46: {  	_ =	shalt  }
0x47: {  	_ =	shalt  }
0x48: {  	_ =	shalt  }
0x49: {  	_ =	shalt  }
0x4a: {  	_ =	shalt  }
0x4b: {  	_ =	shalt  }
0x4c: {  	_ =	shalt  }
0x4d: {  	_ =	shalt  }
0x4e: {  	_ =	shalt  }
0x4f: {  	_ =	shalt  }
0x50: {  	_ =	shalt  }
0x51: {  	_ =	shalt  }
0x52: {  	_ =	shalt  }
0x53: {  	_ =	shalt  }
0x54: {  	_ =	shalt  }
0x55: {  	_ =	shalt  }
0x56: {  	_ =	shalt  }
0x57: {  	_ =	shalt  }
0x58: {  	_ =	shalt  }
0x59: {  	_ =	shalt  }
0x5a: {  	_ =	shalt  }
0x5b: {  	_ =	shalt  }
0x5c: {  	_ =	shalt  }
0x5d: {  	_ =	shalt  }
0x5e: {  	_ =	shalt  }
0x5f: {  	_ =	shalt  }
0x60: {  	_ =	shalt  }
0x61: {  	_ =	shalt  }
0x62: {  	_ =	shalt  }
0x63: {  	_ =	shalt  }
0x64: {  	_ =	shalt  }
0x65: {  	_ =	shalt  }
0x66: {  	_ =	shalt  }
0x67: {  	_ =	shalt  }
0x68: {  	_ =	shalt  }
0x69: {  	_ =	shalt  }
0x6a: {  	_ =	shalt  }
0x6b: {  	_ =	shalt  }
0x6c: {  	_ =	shalt  }
0x6d: {  	_ =	shalt  }
0x6e: {  	_ =	shalt  }
0x6f: {  	_ =	shalt  }
0x70: {  	_ =	shalt  }
0x71: {  	_ =	shalt  }
0x72: {  	_ =	shalt  }
0x73: {  	_ =	shalt  }
0x74: {  	_ =	shalt  }
0x75: {  	_ =	shalt  }
0x76: {  	_ =	shalt  }
0x77: {  	_ =	shalt  }
0x78: {  	_ =	shalt  }
0x79: {  	_ =	shalt  }
0x7a: {  	_ =	shalt  }
0x7b: {  	_ =	shalt  }
0x7c: {  	_ =	shalt  }
0x7d: {  	_ =	shalt  }
0x7e: {  	_ =	shalt  }
0x7f: {  	_ =	shalt  }
0x80: {  	_ =	shalt  }
0x81: {  	_ =	shalt  }
0x82: {  	_ =	shalt  }
0x83: {  	_ =	shalt  }
0x84: {  	_ =	shalt  }
0x85: {  	_ =	shalt  }
0x86: {  	_ =	shalt  }
0x87: {  	_ =	shalt  }
.Lfunc_end0:
.L_simem_size_0:
called_computation_lowered:
.L_overlay_start_0:
0x88: {  	s2 =	sld [smem:$0x3FD9]  }
0x89: {  	s3 =	sld [smem:$0x3FFE];
	_ =	sdelay $0x1  }
0x8a: {  	s1 =	srdreg.scid  }
0x8b: {  	s0 =	sand.u32 $0x1, s1  }
0x8c: {  	s17 =	sshll.u32 s0, $0xA;
	s2 =	sadd.s32 s3, s2  }
0x8d: {  	s2 =	sadd.s32 s2, s17  }
0x8e: {  	[smem:$0x3FC4] =	sst s2  }
0x8f: {  	_ = 	snop  }
0x90: {  	s2 =	sld [smem:$0x3FD0];
	(tm) =	ssettm $0x1  }
0x91: {  	s18 =	sld [smem:$0x3FFB];
	_ =	sdelay $0x3  }
0x92: {  	_ =	strace s18  }
0x93: {  	s3 =	sld [smem:$0x3FFC];
	_ =	sdelay $0x3  }
0x94: {  	_ =	strace s3  }
0x95: {  	s3 =	sld [smem:$0x3FFD];
	_ =	sdelay $0x3  }
0x96: {  	_ =	strace s3  }
0x97: {  	_ =	strace $0x8FFFFFFF  }
0x98: {  	s19 =	sld [smem:$0x3FDB];
	_ =	sdelay $0x1  }
0x99: {  	s4 =	simm.s32 $_scs_section_size  }
0x9a: {  	s5 =	simm.s32 $_size__tile_overlayer_lowered;
	s6 =	simm.s32 $_tile_overlayer_lowered  }
0x9b: {  	s22 =	simm.s32 $0x1BFF;
	s21 =	sshll.u32 s6, $0x1;
	s3 =	sadd.s32 s4, s19  }
0x9c: {  	s7 =	simm.s32 $0x0;
	s20 =	sshll.u32 s5, $0x1;
	s5 =	sadd.s32 s21, s3  }
0x9d: {  	[timem:s7], [sflag:s22] =	dma.local [hbm:s5], s20  }
0x9e: {  	_ =	swait.ge [sflag:s22], s20  }
0x9f: {  	s4 =	ssub.s32 $0x0, s20;
	[sflag:s22] =	ssyncset.done $0x0  }
0xa0: {  	[sflag:s22] =	ssyncadd.s32 s4;
	_ =	sdelay $0x1  }
0xa1: {  	s23 =	simm.s32 $0x1B8B  }
0xa2: {  	_ =	swait.ge [sflag:s23], $0x1  }
0xa3: {  	[sflag:s23] =	ssyncset.done $0x0  }
0xa4: {  	s25 =	simm.s32 $0x1B8E;
	s24 =	sld [smem:$0x3FFE];
	[sflag:s23] =	ssyncadd.s32 $0xFFFFFFFF  }
0xa5: {  	s26 =	simm.s32 $execute0_lowered;
	[smem:$0x3FD2] =	sst s25  }
0xa6: {  	s5 =	sshll.u32 s26, $0x1;
	_ =	strace $0x80000046;
	[dreg:$0x1] =	wrdreg $0xFFFFFFFF  }
0xa7: {  	s28 =	simm.s32 $_size_execute0_lowered;
	s3 =	sadd.s32 s3, s5;
	[dreg:$0x0] =	wrdreg $0x0  }
0xa8: {  	s5 =	sshll.u32 s28, $0x1;
	[dreg:$0x2] =	wrdreg s3  }
0xa9: {  	[dreg:$0x3] =	wrdreg s5  }
0xaa: {  	[dreg:$0x4] =	wrdreg $0xC0  }
0xab: {  	_ =	task [dreg:s7], $0x5FFFF  }
0xac: {  	[dreg:$0x1] =	wrdreg $0xFFFFFFFF  }
0xad: {  	[dreg:$0x0] =	wrdreg $0x60  }
0xae: {  	[dreg:$0x2] =	wrdreg s2  }
0xaf: {  	[dreg:$0x3] =	wrdreg s24  }
0xb0: {  	[dreg:$0x4] =	wrdreg $0x42000  }
0xb1: {  	[dreg:$0x5] =	wrdreg $0x9  }
0xb2: {  	_ =	task.clear_ibuf [dreg:s7], $0x6FFFF;
	_ =	strace $0x90000046  }
0xb3: {  	s29 =	simm.s32 $0x9;
	_ =	strace $0x80000048  }
0xb4: {  	_ =	swait.ge [sflag:s29], $0x1  }
0xb5: {  	[sflag:s29] =	ssyncadd.s32 $0xFFFFFFFF  }
0xb6: {  	_ =	strace $0x90000048  }
0xb7: {  	_ =	sfence  }
0xb8: {  	s30 =	sld [smem:$0x0];
	_ =	sdelay $0x2  }
0xb9: {  	s31 =	sshll.u32 s1, $0xD;
	s1 =	sshrl.u32 s1, $0x2  }
0xba: {  	s3 =	sand.u32 $0x4000, s31;
	s1 =	sadd.s32 s1, s30  }
0xbb: {  	s0 =	sor.u32 s3, s0;
	s1 =	sshll.u32 s1, $0x11  }
0xbc: {  	s0 =	sor.u32 s1, s0  }
0xbd: {  	s0 =	sadd.s32 $0x8F2B, s0  }
0xbe: {  	[sflag:s0] =	ssyncadd.remote.s32 $0x1  }
0xbf: {  	_ =	sfence.sel $0xFFFF  }
0xc0: {  	[dreg:$0x0] =	wrdreg $0xFFFFFFFF;
	(pc) =	sbr.abs _section_cstart, $3  }
0xc1: {  	[dreg:$0x1] =	wrdreg $0xFFFFFFFF  }
0xc2: {  	_ =	task.clear_ibuf [dreg:s7], $0x2FFFF;
	_ =	strace $0x9FFFFFFF  }
0xc3: {  	(tm) =	ssettm $0x7FFFFFFF  }
tec
execute0_lowered:
.L_overlay_start_1:
0x0: {  	(tag) =	ssettag $0x1  }
0x1: {  	s13 =	rddreg [dreg:$0x0]  }
0x2: {  	s5 =	rddreg [dreg:$0x1]  }
0x3: {  	s2 =	rddreg [dreg:$0x2];
	s0 =	stileid.u32  }
0x4: {  	s4 =	srdreg.scid;
	s1 =	rddreg [dreg:$0x3];
	s3 =	simm.s32 $0x0  }
0x5: {  	s18 =	simm.s32 $0x4100;
	s19 =	simm.s32 $0x4180;
	s20 =	simm.s32 $0x1  }
0x6: {  	s21 =	simm.s32 $0x80;
	s22 =	simm.s32 $0x3;
	s23 =	simm.s32 $0x4  }
0x7: {  	s24 =	simm.s32 $0x0;
	s6 =	smul.u32 $0x14000, s0;
	s11 =	sand.u32 $0x1, s4  }
0x8: {  	[smem:$0x7FF] =	sst s3;
	s4 =	sadd.s32 $0xB400, s5;
	s9 =	smul.u32 $0x50000, s0  }
0x9: {  	s30 =	sshll.u32 s0, $0x1;
	s31 =	sshll.u32 s0, $0x6;
	s16 =	smul.u32 $0xA00, s0  }
0xa: {  	s8 =	smul.u32 $0x140000, s11;
	_ =	strace $0x80000047;
	s10 =	ssub.s32 $0x2, s11  }
0xb: {  	s17 =	smul.u32 $0x500, s11;
	s7 =	sshrl.u32 s6, $0x3;
	s12 =	sshrl.u32 s10, $0x1  }
0xc: {  	s9 =	sshrl.u32 s9, $0x2;
	s7 =	sadd.s32 s7, s5;
	s6 =	sadd.s32 s6, s8  }
0xd: {  	s8 =	sor.u32 s11, s30;
	s12 =	ssub.s32 s10, s12;
	s15 =	sadd.s32 s9, s2  }
0xe: {  	s6 =	sshrl.u32 s6, $0x3;
	s8 =	smul.u32 $0x500, s8;
	s12 =	smax.u32 s12, $0x1  }
.Ltmp0:
0xf: {  	s14 =	sadd.s32 s6, s5;
	s5 =	sadd.s32 $0xBC00, s7;
	(pc) =	sbr.rel .LBB2_1-.Ltmp0, $4  }
0x10: {  	s7 =	sor.u32 $0x1C05, s31;
	s6 =	sadd.s32 s13, s8;
	s11 =	sadd.s32 $0x33C00, s14  }
0x11: {  	s13 =	sadd.s32 s16, s13;
	s14 =	sshrl.u32 s15, $0x3;
	s15 =	simm.s32 $0x5  }
0x12: {  	s16 =	simm.s32 $0x4000;
	s8 =	sadd.s32 $0x10, s6;
	s9 =	sadd.s32 $0x20, s6  }
0x13: {  	s10 =	sadd.s32 $0x30, s6;
	s13 =	sadd.s32 s17, s13;
	s17 =	simm.s32 $0x4080  }
.LBB2_4:
0x14: {  	_ =	swait.ge [sflag:s23], $0x80  }
0x15: {  	[sflag:s23] =	ssyncset.done $0x0  }
0x16: {  	[sflag:s23] =	ssyncadd.s32 $0xFFFFFF80  }
0x17: {  	[spmem:s2] =	stream.indirect.scatter.add.f32 [tilespmem:s3], [sflag:$0x5], $0x80, s19, s21, $0xb8;
	[tilespmem:$0x18200] =	vst v63  }
0x18: {  	_ =	swait.ge [sflag:s15], $0x4000  }
0x19: {  	s24 =	sadd.s32 $0x1, s24;
	[sflag:s15] =	ssyncset.done $0x0  }
0x1a: {  	p0 =	sne.s32 s24, s12;
	[sflag:s15] =	ssyncadd.s32 $0xFFFFC000  }
.Ltmp1:
0x1b: {  	[bflag:$0x0] =	sbarrier.arrive $0xFFFF;
	(pc) =	sbr.rel @!p0 .LBB2_5-.Ltmp1, $4  }
0x1c: {  	[hbm:s11], [sflag:s7] =	dma.local [spmem:s14], $0x2800  }
0x1d: {  	_ =	swait.ge [sflag:s15], $0x2800  }
0x1e: {  	[sflag:s15] =	ssyncset.done $0x0  }
0x1f: {  	[sflag:s15] =	ssyncadd.s32 $0xFFFFD800  }
.LBB2_1:
0x20: {  	[spmem:s14], [sflag:s7] =	dma.local [hbm:s5], $0x2800  }
0x21: {  	_ =	swait.ge [sflag:s15], $0x2800  }
0x22: {  	[sflag:s15] =	ssyncset.done $0x0  }
0x23: {  	[sflag:s15] =	ssyncadd.s32 $0xFFFFD800  }
0x24: {  	[tilespmem:s3], [sflag:$0x5] =	stream.linear.gather [hbm4b:s4+s3], $0x4000, $0x38;
	[tilespmem:$0x18200] =	vst v63  }
0x25: {  	_ =	swait.ge [sflag:s15], $0x4000  }
0x26: {  	[sflag:s15] =	ssyncset.done $0x0  }
0x27: {  	[sflag:s15] =	ssyncadd.s32 $0xFFFFC000  }
0x28: {  	[bflag:$0x0] =	sbarrier.arrive $0xFFFF  }
0x29: {  	[tilespmem:s16], [sflag:$0x1] =	stream.linear.gather [hbm4b:s6+s3], $0x80, $0x38;
	[tilespmem:$0x18200] =	vst v63  }
0x2a: {  	_ = 	snop  }
0x2b: {  	[tilespmem:s17], [sflag:$0x2] =	stream.linear.gather [hbm4b:s8+s3], $0x80, $0x38;
	[tilespmem:$0x18200] =	vst v63  }
0x2c: {  	_ = 	snop  }
0x2d: {  	[tilespmem:s18], [sflag:$0x3] =	stream.linear.gather [hbm4b:s9+s3], $0x80, $0x38;
	[tilespmem:$0x18200] =	vst v63  }
0x2e: {  	s25 =	simm.s32 $0x0  }
0x2f: {  	[tilespmem:s19], [sflag:$0x4] =	stream.linear.gather [hbm4b:s10+s3], $0x80, $0x38;
	[tilespmem:$0x18200] =	vst v63  }
.LBB2_2:
0x30: {  	_ =	swait.ge [sflag:s20], $0x80  }
0x31: {  	[sflag:s20] =	ssyncset.done $0x0  }
0x32: {  	[sflag:s20] =	ssyncadd.s32 $0xFFFFFF80  }
0x33: {  	[spmem:s2] =	stream.indirect.scatter.add.f32 [tilespmem:s3], [sflag:$0x5], $0x80, s16, s21, $0xb8;
	[tilespmem:$0x18200] =	vst v63  }
0x34: {  	_ =	swait.ge [sflag:s15], $0x4000  }
0x35: {  	p0 =	seq.s32 s25, $0x4C0;
	[sflag:s15] =	ssyncset.done $0x0  }
0x36: {  	s26 =	simm.s32 @p0 $0x2;
	[sflag:s15] =	ssyncadd.s32 $0xFFFFC000  }
0x37: {  	_ =	swait.ge @p0 [sflag:s26], $0x80  }
0x38: {  	s28 =	simm.s32 @p0 $0x4080;
	[sflag:s26] =	ssyncset.done @p0 $0x0  }
0x39: {  	s29 =	simm.s32 @p0 $0x0;
	[sflag:s26] =	ssyncadd.s32 @p0 $0xFFFFFF80;
	s26 =	simm.s32 @p0 $0x80  }
0x3a: {  	[spmem:s2] =	stream.indirect.scatter.add.f32 @p0 [tilespmem:s29], [sflag:$0x5], $0x80, s28, s26, $0xb8;
	[tilespmem:$0x18200] =	vst v63  }
0x3b: {  	s26 =	simm.s32 @p0 $0x5  }
0x3c: {  	_ =	swait.ge @p0 [sflag:s26], $0x4000  }
0x3d: {  	[sflag:s26] =	ssyncset.done @p0 $0x0  }
0x3e: {  	[sflag:s26] =	ssyncadd.s32 @p0 $0xFFFFC000;
	s26 =	sadd.s32 @!p0 s25, s13  }
0x3f: {  	s30 =	simm.s32 @!p0 $0x4000;
	s29 =	simm.s32 @!p0 $0x0;
	s28 =	sadd.s32 @!p0 $0x40, s26  }
0x40: {  	[tilespmem:s30], [sflag:$0x1] =	stream.linear.gather @!p0 [hbm4b:s28+s29], $0x80, $0x38;
	[tilespmem:$0x18200] =	vst v63  }
0x41: {  	s28 =	simm.s32 @!p0 $0x2  }
0x42: {  	_ =	swait.ge @!p0 [sflag:s28], $0x80  }
0x43: {  	[sflag:s28] =	ssyncset.done @!p0 $0x0  }
0x44: {  	s30 =	simm.s32 @!p0 $0x4080;
	[sflag:s28] =	ssyncadd.s32 @!p0 $0xFFFFFF80;
	s28 =	simm.s32 @!p0 $0x80  }
0x45: {  	[spmem:s2] =	stream.indirect.scatter.add.f32 @!p0 [tilespmem:s29], [sflag:$0x5], $0x80, s30, s28, $0xb8;
	[tilespmem:$0x18200] =	vst v63  }
0x46: {  	s28 =	simm.s32 @!p0 $0x5  }
0x47: {  	_ =	swait.ge @!p0 [sflag:s28], $0x4000  }
0x48: {  	[sflag:s28] =	ssyncset.done @!p0 $0x0  }
0x49: {  	s26 =	sadd.s32 @!p0 $0x50, s26;
	[sflag:s28] =	ssyncadd.s32 @!p0 $0xFFFFC000  }
0x4a: {  	[tilespmem:s30], [sflag:$0x2] =	stream.linear.gather @!p0 [hbm4b:s26+s29], $0x80, $0x38;
	[tilespmem:$0x18200] =	vst v63  }
0x4b: {  	_ =	swait.ge [sflag:s22], $0x80  }
0x4c: {  	[sflag:s22] =	ssyncset.done $0x0  }
.Ltmp2:
0x4d: {  	[sflag:s22] =	ssyncadd.s32 $0xFFFFFF80;
	(pc) =	sbr.rel @p0 .LBB2_4-.Ltmp2, $4  }
0x4e: {  	[spmem:s2] =	stream.indirect.scatter.add.f32 [tilespmem:s3], [sflag:$0x5], $0x80, s18, s21, $0xb8;
	[tilespmem:$0x18200] =	vst v63  }
0x4f: {  	_ =	swait.ge [sflag:s15], $0x4000  }
0x50: {  	[sflag:s15] =	ssyncset.done $0x0  }
0x51: {  	[sflag:s15] =	ssyncadd.s32 $0xFFFFC000  }
0x52: {  	s26 =	sadd.s32 s25, s13  }
0x53: {  	s28 =	sadd.s32 $0x60, s26  }
0x54: {  	[tilespmem:s18], [sflag:$0x3] =	stream.linear.gather [hbm4b:s28+s3], $0x80, $0x38;
	[tilespmem:$0x18200] =	vst v63  }
0x55: {  	_ =	swait.ge [sflag:s23], $0x80  }
0x56: {  	[sflag:s23] =	ssyncset.done $0x0  }
0x57: {  	[sflag:s23] =	ssyncadd.s32 $0xFFFFFF80  }
0x58: {  	[spmem:s2] =	stream.indirect.scatter.add.f32 [tilespmem:s3], [sflag:$0x5], $0x80, s19, s21, $0xb8;
	[tilespmem:$0x18200] =	vst v63  }
.Ltmp3:
0x59: {  	_ = 	snop;
	(pc) =	sbr.rel .LBB2_2-.Ltmp3, $4  }
0x5a: {  	_ =	swait.ge [sflag:s15], $0x4000  }
0x5b: {  	[sflag:s15] =	ssyncset.done $0x0  }
0x5c: {  	s25 =	sadd.s32 $0x40, s25;
	s26 =	sadd.s32 $0x70, s26;
	[sflag:s15] =	ssyncadd.s32 $0xFFFFC000  }
0x5d: {  	[tilespmem:s19], [sflag:$0x4] =	stream.linear.gather [hbm4b:s26+s3], $0x80, $0x38;
	[tilespmem:$0x18200] =	vst v63  }
.LBB2_5:
0x5e: {  	_ =	sfence.sel $0x180000  }
0x5f: {  	[bflag:$0x0] =	sbarrier.arrive $0xFFFF  }
0x60: {  	p0 =	sne.s32 s0, $0x0;
	_ =	strace $0x90000047  }
0x61: {  	s0 =	sadd.s32 @!p0 $0x100000, s1;
	[bflag:$0x2] =	sbarrier.arrive $0xFFFF  }
0x62: {  	[sflag:s0] =	ssyncadd.tile.s32 @!p0 $0x1;
	_ =	shalt  }
.Lfunc_end2:
_tile_overlayer_lowered:
.L_overlay_start_2:
0x63: {  	(tag) =	ssettag $0x2  }
0x64: {  	s0 =	rddreg [dreg:$0x0];
	s2 =	stileid.u32  }
0x65: {  	s1 =	rddreg [dreg:$0x1];
	p0 =	sne.s32 s2, $0x0  }
0x66: {  	s3 =	rddreg [dreg:$0x2];
	[bflag:$0x3] =	sbarrier.arrive $0xFFFF;
	s2 =	simm.s32 @!p0 $0x1C05  }
0x67: {  	[timem:s3], [sflag:s2] =	dma.local @!p0 [hbm:s0], s1  }
0x68: {  	s0 =	simm.s32 @!p0 $0x5  }
0x69: {  	_ =	swait.ge @!p0 [sflag:s0], s1  }
0x6a: {  	s1 =	ssub.s32 @!p0 $0x0, s1;
	[sflag:s0] =	ssyncset.done @!p0 $0x0  }
0x6b: {  	[sflag:s0] =	ssyncadd.s32 @!p0 s1  }
0x6c: {  	[bflag:$0x3] =	sbarrier.arrive $0xFFFF  }
0x6d: {  	_ =	shalt  }

// kernel: kernel.9.cloned.1.call-start
scs
__scs_entry_jumppad:
0x0: {  	(pc) =	sbr.rel $0x88, $3  }
0x1: {  	(tag) =	ssettag $0x0;
	lr =	simm.s32 $0x1  }
0x2: {  	[smem:$0x3F9D] =	sst lr;
	_ =	strace $0xD0000000  }
0x3: {  	_ = 	snop  }
0x4: {  	_ = 	snop  }
0x5: {  	_ = 	snop  }
0x6: {  	_ = 	snop  }
0x7: {  	_ = 	snop  }
__scs_overlays_trampoline_lowered:
0x8: {  	[smem:$0x3FAC] =	sst s0  }
0x9: {  	[smem:$0x3FAD] =	sst s1  }
0xa: {  	[smem:$0x3FAE] =	sst s2  }
0xb: {  	[smem:$0x3FAF] =	sst s3  }
0xc: {  	[smem:$0x3FB0] =	sst s4  }
0xd: {  	[smem:$0x3FB1] =	sst s5  }
0xe: {  	[smem:$0x3FB2] =	sst s6  }
0xf: {  	[smem:$0x3FB3] =	sst s7  }
0x10: {  	[smem:$0x3FB4] =	sst s8  }
0x11: {  	[smem:$0x3FB5] =	sst s9;
	s0 =	simm.s32 @!p0 $0x0  }
0x12: {  	s1 =	sld [smem:$0x3F9B];
	s0 =	simm.s32 @p0 $0x1  }
0x13: {  	[smem:$0x3FB6] =	sst s0;
	s0 =	simm.s32 @!p1 $0x0  }
0x14: {  	s2 =	sld [smem:$0x3F9A];
	s0 =	simm.s32 @p1 $0x1  }
0x15: {  	[smem:$0x3FB7] =	sst s0;
	s0 =	simm.s32 @!p2 $0x0  }
0x16: {  	s3 =	sld [smem:$0x3FDB];
	s0 =	simm.s32 @p2 $0x1  }
0x17: {  	s4 =	simm.s32 $0x1BF5;
	[smem:$0x3FB9] =	sst s0  }
0x18: {  	s0 =	sld [smem:$0x3F9C];
	_ =	swait.ge [sflag:s4], $0x0  }
0x19: {  	s7 =	sld [smem:$0x3F9D]  }
0x1a: {  	s8 =	sadd.s32 $0xFFFFE003, lr  }
0x1b: {  	s9 =	sadd.s32 $0xFFFFFEF7, lr;
	s5 =	simm.s32 $0xFFFFFFFF;
	p2 =	slt.u32 s8, $0xFFFFF086  }
0x1c: {  	p1 =	slt.u32 s9, $0xF7A;
	s5 =	simm.s32 @!p2 $0x0  }
0x1d: {  	s5 =	simm.s32 @p1 $0x1;
	p0 =	seq.s32 s7, s2  }
0x1e: {  	s7 =	smul.u32 @!p0 $0xF7A, s2;
	p2 =	seq.s32 @!p0 s5, $0x0  }
0x1f: {  	s9 =	smul.u32 $0xF7A, s1;
	s8 =	simm.s32 @!p0 $0x1BF5;
	p2 =	por !p2, p0  }
0x20: {  	[sflag:s8] =	ssyncset.s32 @!p0 $0xFFFFF086;
	s6 =	sadd.s32 @!p0 s3, s7;
	s7 =	simm.s32 @!p0 $0x108  }
0x21: {  	s3 =	sadd.s32 s3, s9;
	s6 =	sadd.s32 @!p0 $0x88, s6;
	s7 =	simm.s32 @p2 $0x1082  }
0x22: {  	[simem:s7], [sflag:s8] =	dma.local @!p0 [hbm:s6], $0xF7A  }
0x23: {  	s9 =	sor.u32 $0xD0000000, s2;
	s6 =	simm.s32 $0x108;
	_ =	swait.ge @!p0 [sflag:s8], $0x0  }
0x24: {  	s3 =	sadd.s32 $0x88, s3;
	s6 =	simm.s32 @!p1 $0x1082;
	[sflag:s4] =	ssyncset.s32 $0xFFFFF086  }
0x25: {  	[simem:s6], [sflag:s4] =	dma.local [hbm:s3], $0xF7A  }
0x26: {  	[smem:$0x3F9D] =	sst s1;
	(tag) =	ssettag s2;
	_ =	strace s9  }
0x27: {  	s1 =	sld [smem:$0x3FAD]  }
0x28: {  	s2 =	sld [smem:$0x3FAE]  }
0x29: {  	s4 =	sld [smem:$0x3FB0]  }
0x2a: {  	p0 =	seq.s32 s5, $0x0;
	s5 =	sld [smem:$0x3FB1]  }
0x2b: {  	s6 =	sld [smem:$0x3FB2]  }
0x2c: {  	s7 =	sld [smem:$0x3FB3]  }
0x2d: {  	s3 =	simm.s32 $0x108;
	s8 =	sld [smem:$0x3FB4]  }
0x2e: {  	s3 =	simm.s32 @!p0 $0x1082;
	s9 =	sld [smem:$0x3FB5]  }
0x2f: {  	lr =	sadd.s32 s0, s3;
	s0 =	sld [smem:$0x3FAC]  }
0x30: {  	s3 =	sld [smem:$0x3FAF]  }
0x31: {  	[smem:$0x3FB8] =	sst s10  }
0x32: {  	s10 =	sld [smem:$0x3FB6];
	_ =	sdelay $0x3  }
0x33: {  	p0 =	seq.s32 s10, $0x1;
	s10 =	sld [smem:$0x3FB8];
	_ =	sdelay $0x3  }
0x34: {  	[smem:$0x3FB8] =	sst s10  }
0x35: {  	s10 =	sld [smem:$0x3FB7];
	_ =	sdelay $0x3  }
0x36: {  	p1 =	seq.s32 s10, $0x1;
	s10 =	sld [smem:$0x3FB8];
	_ =	sdelay $0x3  }
0x37: {  	[smem:$0x3FB8] =	sst s10  }
0x38: {  	s10 =	sld [smem:$0x3FB9]  }
0x39: {  	_ = 	snop;
	(pc) =	sbr.ind lr, $3  }
0x3a: {  	_ = 	snop  }
0x3b: {  	_ = 	snop  }
0x3c: {  	p2 =	seq.s32 s10, $0x1;
	s10 =	sld [smem:$0x3FB8]  }
0x3d: {  	_ =	shalt  }
0x3e: {  	_ =	shalt  }
0x3f: {  	_ =	shalt  }
0x40: {  	_ =	shalt  }
0x41: {  	_ =	shalt  }
0x42: {  	_ =	shalt  }
0x43: {  	_ =	shalt  }
0x44: {  	_ =	shalt  }
0x45: {  	_ =	shalt  }
0x46: {  	_ =	shalt  }
0x47: {  	_ =	shalt  }
0x48: {  	_ =	shalt  }
0x49: {  	_ =	shalt  }
0x4a: {  	_ =	shalt  }
0x4b: {  	_ =	shalt  }
0x4c: {  	_ =	shalt  }
0x4d: {  	_ =	shalt  }
0x4e: {  	_ =	shalt  }
0x4f: {  	_ =	shalt  }
0x50: {  	_ =	shalt  }
0x51: {  	_ =	shalt  }
0x52: {  	_ =	shalt  }
0x53: {  	_ =	shalt  }
0x54: {  	_ =	shalt  }
0x55: {  	_ =	shalt  }
0x56: {  	_ =	shalt  }
0x57: {  	_ =	shalt  }
0x58: {  	_ =	shalt  }
0x59: {  	_ =	shalt  }
0x5a: {  	_ =	shalt  }
0x5b: {  	_ =	shalt  }
0x5c: {  	_ =	shalt  }
0x5d: {  	_ =	shalt  }
0x5e: {  	_ =	shalt  }
0x5f: {  	_ =	shalt  }
0x60: {  	_ =	shalt  }
0x61: {  	_ =	shalt  }
0x62: {  	_ =	shalt  }
0x63: {  	_ =	shalt  }
0x64: {  	_ =	shalt  }
0x65: {  	_ =	shalt  }
0x66: {  	_ =	shalt  }
0x67: {  	_ =	shalt  }
0x68: {  	_ =	shalt  }
0x69: {  	_ =	shalt  }
0x6a: {  	_ =	shalt  }
0x6b: {  	_ =	shalt  }
0x6c: {  	_ =	shalt  }
0x6d: {  	_ =	shalt  }
0x6e: {  	_ =	shalt  }
0x6f: {  	_ =	shalt  }
0x70: {  	_ =	shalt  }
0x71: {  	_ =	shalt  }
0x72: {  	_ =	shalt  }
0x73: {  	_ =	shalt  }
0x74: {  	_ =	shalt  }
0x75: {  	_ =	shalt  }
0x76: {  	_ =	shalt  }
0x77: {  	_ =	shalt  }
0x78: {  	_ =	shalt  }
0x79: {  	_ =	shalt  }
0x7a: {  	_ =	shalt  }
0x7b: {  	_ =	shalt  }
0x7c: {  	_ =	shalt  }
0x7d: {  	_ =	shalt  }
0x7e: {  	_ =	shalt  }
0x7f: {  	_ =	shalt  }
0x80: {  	_ =	shalt  }
0x81: {  	_ =	shalt  }
0x82: {  	_ =	shalt  }
0x83: {  	_ =	shalt  }
0x84: {  	_ =	shalt  }
0x85: {  	_ =	shalt  }
0x86: {  	_ =	shalt  }
0x87: {  	_ =	shalt  }
.Lfunc_end0:
.L_simem_size_0:
called_computation.1_lowered:
.L_overlay_start_0:
0x88: {  	s2 =	sld [smem:$0x3FD9]  }
0x89: {  	s3 =	sld [smem:$0x3FFE];
	_ =	sdelay $0x1  }
0x8a: {  	s1 =	srdreg.scid  }
0x8b: {  	s0 =	sand.u32 $0x1, s1  }
0x8c: {  	s17 =	sshll.u32 s0, $0xA;
	s2 =	sadd.s32 s3, s2  }
0x8d: {  	s2 =	sadd.s32 s2, s17  }
0x8e: {  	[smem:$0x3FC4] =	sst s2  }
0x8f: {  	_ = 	snop  }
0x90: {  	s2 =	sld [smem:$0x3FD0];
	(tm) =	ssettm $0x1  }
0x91: {  	s18 =	sld [smem:$0x3FFB];
	_ =	sdelay $0x3  }
0x92: {  	_ =	strace s18  }
0x93: {  	s3 =	sld [smem:$0x3FFC];
	_ =	sdelay $0x3  }
0x94: {  	_ =	strace s3  }
0x95: {  	s3 =	sld [smem:$0x3FFD];
	_ =	sdelay $0x3  }
0x96: {  	_ =	strace s3  }
0x97: {  	_ =	strace $0x8FFFFFFF  }
0x98: {  	s19 =	sld [smem:$0x3FDB];
	_ =	sdelay $0x1  }
0x99: {  	s4 =	simm.s32 $_scs_section_size  }
0x9a: {  	s5 =	simm.s32 $_size__tile_overlayer_lowered;
	s6 =	simm.s32 $_tile_overlayer_lowered  }
0x9b: {  	s22 =	simm.s32 $0x1BFF;
	s21 =	sshll.u32 s6, $0x1;
	s3 =	sadd.s32 s4, s19  }
0x9c: {  	s7 =	simm.s32 $0x0;
	s20 =	sshll.u32 s5, $0x1;
	s5 =	sadd.s32 s21, s3  }
0x9d: {  	[timem:s7], [sflag:s22] =	dma.local [hbm:s5], s20  }
0x9e: {  	_ =	swait.ge [sflag:s22], s20  }
0x9f: {  	s4 =	ssub.s32 $0x0, s20;
	[sflag:s22] =	ssyncset.done $0x0  }
0xa0: {  	[sflag:s22] =	ssyncadd.s32 s4;
	_ =	sdelay $0x1  }
0xa1: {  	s23 =	simm.s32 $0x1B8B  }
0xa2: {  	_ =	swait.ge [sflag:s23], $0x1  }
0xa3: {  	[sflag:s23] =	ssyncset.done $0x0  }
0xa4: {  	s25 =	simm.s32 $0x1B8E;
	s24 =	sld [smem:$0x3FFE];
	[sflag:s23] =	ssyncadd.s32 $0xFFFFFFFF  }
0xa5: {  	s26 =	simm.s32 $execute0_lowered;
	[smem:$0x3FD2] =	sst s25  }
0xa6: {  	s5 =	sshll.u32 s26, $0x1;
	_ =	strace $0x80000049;
	[dreg:$0x1] =	wrdreg $0xFFFFFFFF  }
0xa7: {  	s28 =	simm.s32 $_size_execute0_lowered;
	s3 =	sadd.s32 s3, s5;
	[dreg:$0x0] =	wrdreg $0x0  }
0xa8: {  	s5 =	sshll.u32 s28, $0x1;
	[dreg:$0x2] =	wrdreg s3  }
0xa9: {  	[dreg:$0x3] =	wrdreg s5  }
0xaa: {  	[dreg:$0x4] =	wrdreg $0xC0  }
0xab: {  	_ =	task [dreg:s7], $0x5FFFF  }
0xac: {  	[dreg:$0x1] =	wrdreg $0xFFFFFFFF  }
0xad: {  	[dreg:$0x0] =	wrdreg $0x60  }
0xae: {  	[dreg:$0x2] =	wrdreg s24  }
0xaf: {  	[dreg:$0x3] =	wrdreg s2  }
0xb0: {  	[dreg:$0x4] =	wrdreg $0x96000  }
0xb1: {  	[dreg:$0x5] =	wrdreg $0x9  }
0xb2: {  	_ =	task.clear_ibuf [dreg:s7], $0x6FFFF;
	_ =	strace $0x90000049  }
0xb3: {  	s29 =	simm.s32 $0x9;
	_ =	strace $0x8000004B  }
0xb4: {  	_ =	swait.ge [sflag:s29], $0x1  }
0xb5: {  	[sflag:s29] =	ssyncadd.s32 $0xFFFFFFFF  }
0xb6: {  	_ =	strace $0x9000004B  }
0xb7: {  	_ =	sfence  }
0xb8: {  	s30 =	sld [smem:$0x0];
	_ =	sdelay $0x2  }
0xb9: {  	s31 =	sshll.u32 s1, $0xD;
	s1 =	sshrl.u32 s1, $0x2  }
0xba: {  	s3 =	sand.u32 $0x4000, s31;
	s1 =	sadd.s32 s1, s30  }
0xbb: {  	s0 =	sor.u32 s3, s0;
	s1 =	sshll.u32 s1, $0x11  }
0xbc: {  	s0 =	sor.u32 s1, s0  }
0xbd: {  	s0 =	sadd.s32 $0x8F2B, s0  }
0xbe: {  	[sflag:s0] =	ssyncadd.remote.s32 $0x1  }
0xbf: {  	_ =	sfence.sel $0xFFFF  }
0xc0: {  	[dreg:$0x0] =	wrdreg $0xFFFFFFFF;
	(pc) =	sbr.abs _section_cstart, $3  }
0xc1: {  	[dreg:$0x1] =	wrdreg $0xFFFFFFFF  }
0xc2: {  	_ =	task.clear_ibuf [dreg:s7], $0x2FFFF;
	_ =	strace $0x9FFFFFFF  }
0xc3: {  	(tm) =	ssettm $0x7FFFFFFF  }
tec
execute0_lowered:
.L_overlay_start_1:
0x0: {  	(tag) =	ssettag $0x1  }
0x1: {  	s0 =	rddreg [dreg:$0x0]  }
0x2: {  	s2 =	rddreg [dreg:$0x1]  }
0x3: {  	s1 =	rddreg [dreg:$0x2];
	s13 =	stileid.u32  }
0x4: {  	s3 =	srdreg.scid;
	s28 =	simm.s32 $0x80;
	s7 =	smul.u32 $0x14000, s13  }
0x5: {  	s29 =	simm.s32 $0x1400;
	s30 =	simm.s32 $0x5400;
	s11 =	smul.u32 $0x50000, s13  }
0x6: {  	s31 =	simm.s32 $0x1;
	s5 =	sand.u32 $0x1, s3;
	s26 =	smul.u32 $0x2800, s13  }
0x7: {  	s3 =	simm.s32 $0x0;
	s8 =	sadd.s32 $0x1400, s0;
	s21 =	smul.u32 $0xA00, s13  }
0x8: {  	s4 =	sadd.s32 $0x33C00, s0;
	s9 =	sshll.u32 s13, $0x1;
	s6 =	smul.u32 $0x140000, s5  }
0x9: {  	[smem:$0x7FF] =	sst s3;
	s10 =	ssub.s32 $0x2, s5;
	s9 =	sor.u32 s5, s9  }
0xa: {  	p0 =	seq.s32 s5, $0x0;
	s5 =	smul.u32 $0x500, s5;
	_ =	strace $0x8000004A  }
0xb: {  	s24 =	sshrl.u32 s10, $0x1;
	s12 =	smul.u32 $0x500, s9;
	s25 =	sshrl.u32 s11, $0x2  }
0xc: {  	s9 =	smul.u32 $0x2800, s9;
	s6 =	sadd.s32 s7, s6;
	s7 =	sadd.s32 $0xBC00, s0  }
0xd: {  	s10 =	ssub.s32 s10, s24;
	s24 =	sadd.s32 s21, s2;
	s6 =	sshrl.u32 s6, $0x3  }
0xe: {  	s14 =	sadd.s32 s8, s12;
	s9 =	sshrl.u32 s9, $0x3;
	s23 =	smax.u32 s10, $0x1  }
0xf: {  	s7 =	smov.u32 @p0 s4;
	s0 =	sadd.s32 s6, s0;
	[dreg:$0x5] =	wrdreg s14  }
0x10: {  	s6 =	sadd.s32 s25, s1;
	s18 =	sadd.s32 s2, s9;
	[dreg:$0xf] =	wrdreg s23  }
0x11: {  	s25 =	sshll.u32 s13, $0x6;
	s26 =	sadd.s32 s7, s26;
	s23 =	simm.s32 $0x9400  }
0x12: {  	s7 =	simm.s32 $0x6;
	[dreg:$0x4] =	wrdreg s6;
	s6 =	sadd.s32 s2, s12  }
0x13: {  	s12 =	sadd.s32 $0x280, s12;
	s20 =	sadd.s32 $0x290, s18;
	[dreg:$0x10] =	wrdreg s26  }
0x14: {  	s22 =	sadd.s32 $0x2A0, s18;
	s0 =	sadd.s32 $0x5BC00, s0;
	[dreg:$0xb] =	wrdreg s20  }
0x15: {  	s26 =	simm.s32 $0x9580;
	s15 =	sadd.s32 $0x10, s6;
	[dreg:$0xc] =	wrdreg s22  }
0x16: {  	s16 =	sadd.s32 $0x20, s6;
	s17 =	sadd.s32 $0x30, s6;
	[dreg:$0xe] =	wrdreg s0  }
0x17: {  	s8 =	sadd.s32 s8, s12;
	s19 =	sadd.s32 s2, s12;
	[dreg:$0x6] =	wrdreg s15  }
0x18: {  	s0 =	sadd.s32 s5, s24;
	s22 =	simm.s32 $0x7;
	[dreg:$0x7] =	wrdreg s16  }
.Ltmp0:
0x19: {  	s24 =	simm.s32 $0x9480;
	[dreg:$0x8] =	wrdreg s17;
	(pc) =	sbr.rel .LBB2_1-.Ltmp0, $4  }
0x1a: {  	s2 =	simm.s32 $0x2;
	s5 =	simm.s32 $0x4;
	[dreg:$0x9] =	wrdreg s8  }
0x1b: {  	[dreg:$0xa] =	wrdreg s19;
	s8 =	sadd.s32 $0x2B0, s18;
	s19 =	sor.u32 $0x1C07, s25  }
0x1c: {  	s20 =	sadd.s32 $0x70, s0;
	s21 =	sadd.s32 $0x2F0, s0;
	s25 =	simm.s32 $0x9500  }
0x1d: {  	s0 =	simm.s32 $0x3;
	[dreg:$0xd] =	wrdreg s8;
	s8 =	simm.s32 $0x0  }
.LBB2_7:
0x1e: {  	[bflag:$0x0] =	sbarrier.arrive $0xFFFF  }
0x1f: {  	s10 =	rddreg [dreg:$0xe]  }
0x20: {  	[hbm:s10], [sflag:s19] =	dma.local [spmem:s9], $0x2800  }
0x21: {  	_ =	swait.ge [sflag:s22], $0x2800  }
0x22: {  	s8 =	sadd.s32 $0x1, s8;
	s18 =	rddreg [dreg:$0xf]  }
0x23: {  	p0 =	sne.s32 s8, s18  }
.Ltmp1:
0x24: {  	_ = 	snop;
	(pc) =	sbr.rel @!p0 .LBB2_8-.Ltmp1, $3  }
0x25: {  	_ =	sdelay $0x1  }
0x26: {  	[sflag:s22] =	ssyncset.done $0x0  }
0x27: {  	[sflag:s22] =	ssyncadd.s32 $0xFFFFD800  }
.LBB2_1:
0x28: {  	s9 =	rddreg [dreg:$0x4]  }
0x29: {  	s10 =	rddreg [dreg:$0x10];
	s9 =	sshrl.u32 s9, $0x3  }
0x2a: {  	[spmem:s9], [sflag:s19] =	dma.local [hbm:s10], $0x2800  }
0x2b: {  	_ =	swait.ge [sflag:s22], $0x2800  }
0x2c: {  	[sflag:s22] =	ssyncset.done $0x0  }
0x2d: {  	[sflag:s22] =	ssyncadd.s32 $0xFFFFD800  }
0x2e: {  	[bflag:$0x0] =	sbarrier.arrive $0xFFFF  }
0x2f: {  	s15 =	rddreg [dreg:$0x5]  }
0x30: {  	[tilespmem:s3], [sflag:$0x7] =	stream.linear.gather [hbm4b:s15+s3], $0x1400, $0x38;
	[tilespmem:$0x1D600] =	vst v63  }
0x31: {  	_ =	swait.ge [sflag:s22], $0x1400  }
0x32: {  	[sflag:s22] =	ssyncset.done $0x0  }
0x33: {  	[sflag:s22] =	ssyncadd.s32 $0xFFFFEC00  }
0x34: {  	[tilespmem:s23], [sflag:$0x3] =	stream.linear.gather [hbm4b:s6+s3], $0x80, $0x38;
	[tilespmem:$0x1D600] =	vst v63  }
0x35: {  	s16 =	rddreg [dreg:$0x6]  }
0x36: {  	[tilespmem:s24], [sflag:$0x4] =	stream.linear.gather [hbm4b:s16+s3], $0x80, $0x38;
	[tilespmem:$0x1D600] =	vst v63  }
0x37: {  	s17 =	rddreg [dreg:$0x7]  }
0x38: {  	[tilespmem:s25], [sflag:$0x5] =	stream.linear.gather [hbm4b:s17+s3], $0x80, $0x38;
	[tilespmem:$0x1D600] =	vst v63  }
0x39: {  	s18 =	rddreg [dreg:$0x8]  }
0x3a: {  	[tilespmem:s26], [sflag:$0x6] =	stream.linear.gather [hbm4b:s18+s3], $0x80, $0x38;
	[tilespmem:$0x1D600] =	vst v63  }
0x3b: {  	_ = 	snop  }
0x3c: {  	[tilespmem:s29], [sflag:$0x1] =	stream.indirect.gather [hbm4b:s4+s28], $0x80, s3, s28, $0xb8;
	[tilespmem:$0x1D600] =	vst v63  }
0x3d: {  	s11 =	simm.s32 $0x0;
	s10 =	smov.u32 s20  }
0x3e: {  	[tilespmem:s30], [sflag:$0x2] =	stream.indirect.gather [hbm4b:s4+s28], $0x80, s28, s28, $0xb8;
	[tilespmem:$0x1D600] =	vst v63  }
.LBB2_2:
0x3f: {  	_ =	swait.ge [sflag:s31], $0x4000  }
0x40: {  	[sflag:s31] =	ssyncset.done $0x0  }
0x41: {  	[sflag:s31] =	ssyncadd.s32 $0xFFFFC000  }
0x42: {  	_ =	swait.ge [sflag:s0], $0x80  }
0x43: {  	[sflag:s0] =	ssyncset.done $0x0  }
0x44: {  	[sflag:s0] =	ssyncadd.s32 $0xFFFFFF80  }
0x45: {  	[spmem:s1] =	stream.indirect.scatter.add.f32 [tilespmem:s29], [sflag:$0x7], $0x80, s23, s28, $0xb8;
	[tilespmem:$0x1D600] =	vst v63  }
0x46: {  	_ =	swait.ge [sflag:s22], $0x4000  }
0x47: {  	s12 =	sshra.s32 s11, $0x2;
	[sflag:s22] =	ssyncset.done $0x0  }
0x48: {  	p0 =	seq.s32 s11, $0x4800;
	s13 =	sadd.s32 $0x100, s12;
	[sflag:s22] =	ssyncadd.s32 $0xFFFFC000  }
0x49: {  	[tilespmem:s29], [sflag:$0x1] =	stream.indirect.gather [hbm4b:s4+s28], $0x80, s13, s28, $0xb8;
	[tilespmem:$0x1D600] =	vst v63  }
0x4a: {  	s14 =	simm.s32 @!p0 $0x0;
	s15 =	simm.s32 @!p0 $0x9400;
	s13 =	sadd.s32 @!p0 $0xFFFFFFD0, s10  }
0x4b: {  	[tilespmem:s15], [sflag:$0x3] =	stream.linear.gather @!p0 [hbm4b:s13+s14], $0x80, $0x38;
	[tilespmem:$0x1D600] =	vst v63  }
0x4c: {  	_ =	swait.ge [sflag:s2], $0x4000  }
0x4d: {  	[sflag:s2] =	ssyncset.done $0x0  }
0x4e: {  	[sflag:s2] =	ssyncadd.s32 $0xFFFFC000  }
0x4f: {  	_ =	swait.ge [sflag:s5], $0x80  }
0x50: {  	[sflag:s5] =	ssyncset.done $0x0  }
0x51: {  	[sflag:s5] =	ssyncadd.s32 $0xFFFFFF80  }
0x52: {  	[spmem:s1] =	stream.indirect.scatter.add.f32 [tilespmem:s30], [sflag:$0x7], $0x80, s24, s28, $0xb8;
	[tilespmem:$0x1D600] =	vst v63  }
0x53: {  	_ =	swait.ge [sflag:s22], $0x4000  }
0x54: {  	[sflag:s22] =	ssyncset.done $0x0  }
0x55: {  	s18 =	sadd.s32 $0x180, s12;
	s13 =	simm.s32 @p0 $0x1;
	[sflag:s22] =	ssyncadd.s32 $0xFFFFC000  }
0x56: {  	[tilespmem:s30], [sflag:$0x2] =	stream.indirect.gather [hbm4b:s4+s28], $0x80, s18, s28, $0xb8;
	[tilespmem:$0x1D600] =	vst v63  }
0x57: {  	_ =	swait.ge @p0 [sflag:s13], $0x4000  }
0x58: {  	[sflag:s13] =	ssyncset.done @p0 $0x0  }
0x59: {  	[sflag:s13] =	ssyncadd.s32 @p0 $0xFFFFC000;
	s13 =	simm.s32 @p0 $0x5  }
0x5a: {  	_ =	swait.ge @p0 [sflag:s13], $0x80  }
0x5b: {  	s16 =	simm.s32 @p0 $0x1400;
	[sflag:s13] =	ssyncset.done @p0 $0x0  }
0x5c: {  	s15 =	simm.s32 @p0 $0x9500;
	[sflag:s13] =	ssyncadd.s32 @p0 $0xFFFFFF80;
	s13 =	simm.s32 @p0 $0x80  }
0x5d: {  	[spmem:s1] =	stream.indirect.scatter.add.f32 @p0 [tilespmem:s16], [sflag:$0x7], $0x80, s15, s13, $0xb8;
	[tilespmem:$0x1D600] =	vst v63  }
0x5e: {  	s13 =	simm.s32 @p0 $0x7  }
0x5f: {  	_ =	swait.ge @p0 [sflag:s13], $0x4000  }
0x60: {  	[sflag:s13] =	ssyncset.done @p0 $0x0  }
0x61: {  	s15 =	simm.s32 @!p0 $0x9480;
	[sflag:s13] =	ssyncadd.s32 @p0 $0xFFFFC000;
	s13 =	sadd.s32 @!p0 $0xFFFFFFE0, s10  }
0x62: {  	[tilespmem:s15], [sflag:$0x4] =	stream.linear.gather @!p0 [hbm4b:s13+s14], $0x80, $0x38;
	[tilespmem:$0x1D600] =	vst v63  }
0x63: {  	s13 =	simm.s32 @!p0 $0x1  }
0x64: {  	_ =	swait.ge @!p0 [sflag:s13], $0x4000  }
0x65: {  	[sflag:s13] =	ssyncset.done @!p0 $0x0  }
0x66: {  	[sflag:s13] =	ssyncadd.s32 @!p0 $0xFFFFC000;
	s13 =	simm.s32 @!p0 $0x5  }
0x67: {  	_ =	swait.ge @!p0 [sflag:s13], $0x80  }
0x68: {  	s17 =	simm.s32 @!p0 $0x7;
	s16 =	simm.s32 @!p0 $0x1400;
	[sflag:s13] =	ssyncset.done @!p0 $0x0  }
0x69: {  	s15 =	simm.s32 @!p0 $0x9500;
	[sflag:s13] =	ssyncadd.s32 @!p0 $0xFFFFFF80;
	s13 =	simm.s32 @!p0 $0x80  }
0x6a: {  	[spmem:s1] =	stream.indirect.scatter.add.f32 @!p0 [tilespmem:s16], [sflag:$0x7], $0x80, s15, s13, $0xb8;
	[tilespmem:$0x1D600] =	vst v63  }
0x6b: {  	_ =	swait.ge @!p0 [sflag:s17], $0x4000  }
0x6c: {  	s18 =	sshra.s32 @!p0 s11, $0x2;
	[sflag:s17] =	ssyncset.done @!p0 $0x0  }
0x6d: {  	[sflag:s17] =	ssyncadd.s32 @!p0 $0xFFFFC000;
	s17 =	sadd.s32 @!p0 $0x200, s18  }
0x6e: {  	[tilespmem:s16], [sflag:$0x1] =	stream.indirect.gather @!p0 [hbm4b:s4+s13], $0x80, s17, s13, $0xb8;
	[tilespmem:$0x1D600] =	vst v63  }
0x6f: {  	s13 =	sadd.s32 @!p0 $0xFFFFFFF0, s10  }
0x70: {  	[tilespmem:s15], [sflag:$0x5] =	stream.linear.gather @!p0 [hbm4b:s13+s14], $0x80, $0x38;
	[tilespmem:$0x1D600] =	vst v63  }
0x71: {  	_ =	swait.ge [sflag:s2], $0x4000  }
0x72: {  	[sflag:s2] =	ssyncset.done $0x0  }
0x73: {  	[sflag:s2] =	ssyncadd.s32 $0xFFFFC000  }
0x74: {  	_ =	swait.ge [sflag:s7], $0x80  }
0x75: {  	[sflag:s7] =	ssyncset.done $0x0  }
.Ltmp2:
0x76: {  	[sflag:s7] =	ssyncadd.s32 $0xFFFFFF80;
	(pc) =	sbr.rel @p0 .LBB2_4-.Ltmp2, $4  }
0x77: {  	[spmem:s1] =	stream.indirect.scatter.add.f32 [tilespmem:s30], [sflag:$0x7], $0x80, s26, s28, $0xb8;
	[tilespmem:$0x1D600] =	vst v63  }
0x78: {  	_ =	swait.ge [sflag:s22], $0x4000  }
0x79: {  	[sflag:s22] =	ssyncset.done $0x0  }
0x7a: {  	[sflag:s22] =	ssyncadd.s32 $0xFFFFC000  }
.Ltmp3:
0x7b: {  	s12 =	sadd.s32 $0x280, s12;
	(pc) =	sbr.rel .LBB2_2-.Ltmp3, $4  }
0x7c: {  	[tilespmem:s30], [sflag:$0x2] =	stream.indirect.gather [hbm4b:s4+s28], $0x80, s12, s28, $0xb8;
	[tilespmem:$0x1D600] =	vst v63  }
0x7d: {  	_ = 	snop  }
0x7e: {  	[tilespmem:s26], [sflag:$0x6] =	stream.linear.gather [hbm4b:s10+s3], $0x80, $0x38;
	[tilespmem:$0x1D600] =	vst v63  }
0x7f: {  	s11 =	sadd.s32 $0x800, s11;
	s10 =	sadd.s32 $0x40, s10  }
.LBB2_4:
0x80: {  	s10 =	simm.s32 $0x0;
	s11 =	rddreg [dreg:$0x9]  }
0x81: {  	[tilespmem:s10], [sflag:$0x7] =	stream.linear.gather [hbm4b:s11+s10], $0x1400, $0x38;
	[tilespmem:$0x1D600] =	vst v63  }
0x82: {  	_ =	swait.ge [sflag:s22], $0x1400  }
0x83: {  	[sflag:s22] =	ssyncset.done $0x0  }
0x84: {  	s15 =	rddreg [dreg:$0xa];
	[sflag:s22] =	ssyncadd.s32 $0xFFFFEC00  }
0x85: {  	[tilespmem:s23], [sflag:$0x3] =	stream.linear.gather [hbm4b:s15+s10], $0x80, $0x38;
	[tilespmem:$0x1D600] =	vst v63  }
0x86: {  	s16 =	rddreg [dreg:$0xb]  }
0x87: {  	[tilespmem:s24], [sflag:$0x4] =	stream.linear.gather [hbm4b:s16+s10], $0x80, $0x38;
	[tilespmem:$0x1D600] =	vst v63  }
0x88: {  	s17 =	rddreg [dreg:$0xc]  }
0x89: {  	[tilespmem:s25], [sflag:$0x5] =	stream.linear.gather [hbm4b:s17+s10], $0x80, $0x38;
	[tilespmem:$0x1D600] =	vst v63  }
0x8a: {  	s18 =	rddreg [dreg:$0xd]  }
0x8b: {  	[tilespmem:s26], [sflag:$0x6] =	stream.linear.gather [hbm4b:s18+s10], $0x80, $0x38;
	[tilespmem:$0x1D600] =	vst v63  }
0x8c: {  	_ = 	snop  }
0x8d: {  	[tilespmem:s29], [sflag:$0x1] =	stream.indirect.gather [hbm4b:s4+s28], $0x80, s10, s28, $0xb8;
	[tilespmem:$0x1D600] =	vst v63  }
0x8e: {  	s11 =	smov.u32 s21  }
0x8f: {  	[tilespmem:s30], [sflag:$0x2] =	stream.indirect.gather [hbm4b:s4+s28], $0x80, s28, s28, $0xb8;
	[tilespmem:$0x1D600] =	vst v63  }
.LBB2_5:
0x90: {  	_ =	swait.ge [sflag:s31], $0x4000  }
0x91: {  	[sflag:s31] =	ssyncset.done $0x0  }
0x92: {  	[sflag:s31] =	ssyncadd.s32 $0xFFFFC000  }
0x93: {  	_ =	swait.ge [sflag:s0], $0x80  }
0x94: {  	[sflag:s0] =	ssyncset.done $0x0  }
0x95: {  	[sflag:s0] =	ssyncadd.s32 $0xFFFFFF80  }
0x96: {  	[spmem:s1] =	stream.indirect.scatter.add.f32 [tilespmem:s29], [sflag:$0x7], $0x80, s23, s28, $0xb8;
	[tilespmem:$0x1D600] =	vst v63  }
0x97: {  	_ =	swait.ge [sflag:s22], $0x4000  }
0x98: {  	s12 =	sshra.s32 s10, $0x2;
	[sflag:s22] =	ssyncset.done $0x0  }
0x99: {  	p0 =	seq.s32 s10, $0x4800;
	s13 =	sadd.s32 $0x100, s12;
	[sflag:s22] =	ssyncadd.s32 $0xFFFFC000  }
0x9a: {  	[tilespmem:s29], [sflag:$0x1] =	stream.indirect.gather [hbm4b:s4+s28], $0x80, s13, s28, $0xb8;
	[tilespmem:$0x1D600] =	vst v63  }
0x9b: {  	s14 =	simm.s32 @!p0 $0x0;
	s15 =	simm.s32 @!p0 $0x9400;
	s13 =	sadd.s32 @!p0 $0xFFFFFFD0, s11  }
0x9c: {  	[tilespmem:s15], [sflag:$0x3] =	stream.linear.gather @!p0 [hbm4b:s13+s14], $0x80, $0x38;
	[tilespmem:$0x1D600] =	vst v63  }
0x9d: {  	_ =	swait.ge [sflag:s2], $0x4000  }
0x9e: {  	[sflag:s2] =	ssyncset.done $0x0  }
0x9f: {  	[sflag:s2] =	ssyncadd.s32 $0xFFFFC000  }
0xa0: {  	_ =	swait.ge [sflag:s5], $0x80  }
0xa1: {  	[sflag:s5] =	ssyncset.done $0x0  }
0xa2: {  	[sflag:s5] =	ssyncadd.s32 $0xFFFFFF80  }
0xa3: {  	[spmem:s1] =	stream.indirect.scatter.add.f32 [tilespmem:s30], [sflag:$0x7], $0x80, s24, s28, $0xb8;
	[tilespmem:$0x1D600] =	vst v63  }
0xa4: {  	_ =	swait.ge [sflag:s22], $0x4000  }
0xa5: {  	[sflag:s22] =	ssyncset.done $0x0  }
0xa6: {  	s18 =	sadd.s32 $0x180, s12;
	s13 =	simm.s32 @p0 $0x1;
	[sflag:s22] =	ssyncadd.s32 $0xFFFFC000  }
0xa7: {  	[tilespmem:s30], [sflag:$0x2] =	stream.indirect.gather [hbm4b:s4+s28], $0x80, s18, s28, $0xb8;
	[tilespmem:$0x1D600] =	vst v63  }
0xa8: {  	_ =	swait.ge @p0 [sflag:s13], $0x4000  }
0xa9: {  	[sflag:s13] =	ssyncset.done @p0 $0x0  }
0xaa: {  	[sflag:s13] =	ssyncadd.s32 @p0 $0xFFFFC000;
	s13 =	simm.s32 @p0 $0x5  }
0xab: {  	_ =	swait.ge @p0 [sflag:s13], $0x80  }
0xac: {  	s16 =	simm.s32 @p0 $0x1400;
	[sflag:s13] =	ssyncset.done @p0 $0x0  }
0xad: {  	s15 =	simm.s32 @p0 $0x9500;
	[sflag:s13] =	ssyncadd.s32 @p0 $0xFFFFFF80;
	s13 =	simm.s32 @p0 $0x80  }
0xae: {  	[spmem:s1] =	stream.indirect.scatter.add.f32 @p0 [tilespmem:s16], [sflag:$0x7], $0x80, s15, s13, $0xb8;
	[tilespmem:$0x1D600] =	vst v63  }
0xaf: {  	s13 =	simm.s32 @p0 $0x7  }
0xb0: {  	_ =	swait.ge @p0 [sflag:s13], $0x4000  }
0xb1: {  	[sflag:s13] =	ssyncset.done @p0 $0x0  }
0xb2: {  	s15 =	simm.s32 @!p0 $0x9480;
	[sflag:s13] =	ssyncadd.s32 @p0 $0xFFFFC000;
	s13 =	sadd.s32 @!p0 $0xFFFFFFE0, s11  }
0xb3: {  	[tilespmem:s15], [sflag:$0x4] =	stream.linear.gather @!p0 [hbm4b:s13+s14], $0x80, $0x38;
	[tilespmem:$0x1D600] =	vst v63  }
0xb4: {  	s13 =	simm.s32 @!p0 $0x1  }
0xb5: {  	_ =	swait.ge @!p0 [sflag:s13], $0x4000  }
0xb6: {  	[sflag:s13] =	ssyncset.done @!p0 $0x0  }
0xb7: {  	[sflag:s13] =	ssyncadd.s32 @!p0 $0xFFFFC000;
	s13 =	simm.s32 @!p0 $0x5  }
0xb8: {  	_ =	swait.ge @!p0 [sflag:s13], $0x80  }
0xb9: {  	s17 =	simm.s32 @!p0 $0x7;
	s16 =	simm.s32 @!p0 $0x1400;
	[sflag:s13] =	ssyncset.done @!p0 $0x0  }
0xba: {  	s15 =	simm.s32 @!p0 $0x9500;
	[sflag:s13] =	ssyncadd.s32 @!p0 $0xFFFFFF80;
	s13 =	simm.s32 @!p0 $0x80  }
0xbb: {  	[spmem:s1] =	stream.indirect.scatter.add.f32 @!p0 [tilespmem:s16], [sflag:$0x7], $0x80, s15, s13, $0xb8;
	[tilespmem:$0x1D600] =	vst v63  }
0xbc: {  	_ =	swait.ge @!p0 [sflag:s17], $0x4000  }
0xbd: {  	s18 =	sshra.s32 @!p0 s10, $0x2;
	[sflag:s17] =	ssyncset.done @!p0 $0x0  }
0xbe: {  	[sflag:s17] =	ssyncadd.s32 @!p0 $0xFFFFC000;
	s17 =	sadd.s32 @!p0 $0x200, s18  }
0xbf: {  	[tilespmem:s16], [sflag:$0x1] =	stream.indirect.gather @!p0 [hbm4b:s4+s13], $0x80, s17, s13, $0xb8;
	[tilespmem:$0x1D600] =	vst v63  }
0xc0: {  	s13 =	sadd.s32 @!p0 $0xFFFFFFF0, s11  }
0xc1: {  	[tilespmem:s15], [sflag:$0x5] =	stream.linear.gather @!p0 [hbm4b:s13+s14], $0x80, $0x38;
	[tilespmem:$0x1D600] =	vst v63  }
0xc2: {  	_ =	swait.ge [sflag:s2], $0x4000  }
0xc3: {  	[sflag:s2] =	ssyncset.done $0x0  }
0xc4: {  	[sflag:s2] =	ssyncadd.s32 $0xFFFFC000  }
0xc5: {  	_ =	swait.ge [sflag:s7], $0x80  }
0xc6: {  	[sflag:s7] =	ssyncset.done $0x0  }
.Ltmp4:
0xc7: {  	[sflag:s7] =	ssyncadd.s32 $0xFFFFFF80;
	(pc) =	sbr.rel @p0 .LBB2_7-.Ltmp4, $4  }
0xc8: {  	[spmem:s1] =	stream.indirect.scatter.add.f32 [tilespmem:s30], [sflag:$0x7], $0x80, s26, s28, $0xb8;
	[tilespmem:$0x1D600] =	vst v63  }
0xc9: {  	_ =	swait.ge [sflag:s22], $0x4000  }
0xca: {  	[sflag:s22] =	ssyncset.done $0x0  }
0xcb: {  	[sflag:s22] =	ssyncadd.s32 $0xFFFFC000  }
.Ltmp5:
0xcc: {  	s12 =	sadd.s32 $0x280, s12;
	(pc) =	sbr.rel .LBB2_5-.Ltmp5, $4  }
0xcd: {  	[tilespmem:s30], [sflag:$0x2] =	stream.indirect.gather [hbm4b:s4+s28], $0x80, s12, s28, $0xb8;
	[tilespmem:$0x1D600] =	vst v63  }
0xce: {  	_ = 	snop  }
0xcf: {  	[tilespmem:s26], [sflag:$0x6] =	stream.linear.gather [hbm4b:s11+s3], $0x80, $0x38;
	[tilespmem:$0x1D600] =	vst v63  }
0xd0: {  	s10 =	sadd.s32 $0x800, s10;
	s11 =	sadd.s32 $0x40, s11  }
.LBB2_8:
0xd1: {  	_ =	sfence.sel $0x180000  }
0xd2: {  	[bflag:$0x0] =	sbarrier.arrive $0xFFFF  }
0xd3: {  	_ =	strace $0x9000004A  }
0xd4: {  	s0 =	stileid.u32;
	[bflag:$0x2] =	sbarrier.arrive $0xFFFF  }
0xd5: {  	p0 =	sne.s32 s0, $0x0;
	s0 =	rddreg [dreg:$0x3]  }
0xd6: {  	s0 =	sadd.s32 @!p0 $0x100000, s0  }
0xd7: {  	[sflag:s0] =	ssyncadd.tile.s32 @!p0 $0x1;
	_ =	shalt  }
.Lfunc_end2:
_tile_overlayer_lowered:
.L_overlay_start_2:
0xd8: {  	(tag) =	ssettag $0x2  }
0xd9: {  	s0 =	rddreg [dreg:$0x0];
	s2 =	stileid.u32  }
0xda: {  	s1 =	rddreg [dreg:$0x1];
	p0 =	sne.s32 s2, $0x0  }
0xdb: {  	s3 =	rddreg [dreg:$0x2];
	[bflag:$0x3] =	sbarrier.arrive $0xFFFF;
	s2 =	simm.s32 @!p0 $0x1C07  }
0xdc: {  	[timem:s3], [sflag:s2] =	dma.local @!p0 [hbm:s0], s1  }
0xdd: {  	s0 =	simm.s32 @!p0 $0x7  }
0xde: {  	_ =	swait.ge @!p0 [sflag:s0], s1  }
0xdf: {  	s1 =	ssub.s32 @!p0 $0x0, s1;
	[sflag:s0] =	ssyncset.done @!p0 $0x0  }
0xe0: {  	[sflag:s0] =	ssyncadd.s32 @!p0 s1  }
0xe1: {  	[bflag:$0x3] =	sbarrier.arrive $0xFFFF  }
0xe2: {  	_ =	shalt  }

</sc_bundles>
